<compile_context>
chip_gen: v7x
topology: tpu7x:2x2x1
jax: 0.10.2.dev20260603
libtpu: 0.0.44.dev20260713+nightly
codegen_flags: <defaults>
</compile_context>

<pallas_src>
import functools

import jax
import jax.numpy as jnp
from jax import lax
from jax.experimental import pallas as pl
from jax.experimental.pallas import tpu as pltpu
from jax.experimental.pallas import tpu_sc as plsc


def _gather_pe(t, pe_weight):
    (n,) = t.shape
    period, c = pe_weight.shape
    info = plsc.get_sparse_core_info()
    nw = info.num_cores * info.num_subcores
    n_per_w = n // nw
    mesh = plsc.VectorSubcoreMesh(core_axis_name="c", subcore_axis_name="s")

    @functools.partial(
        pl.kernel,
        mesh=mesh,
        out_type=jax.ShapeDtypeStruct((n, c), jnp.float32),
        scratch_types=[
            pltpu.VMEM((n_per_w,), jnp.int32),
            pltpu.VMEM((n_per_w, c), jnp.float32),
            pltpu.SemaphoreType.DMA,
        ],
        compiler_params=pltpu.CompilerParams(use_tc_tiling_on_sc=False),
    )
    def gather_kernel(t_hbm, table_hbm, out_hbm, idx_v, rows_v, sem):
        wid = lax.axis_index("s") * info.num_cores + lax.axis_index("c")
        base = wid * n_per_w
        pltpu.sync_copy(t_hbm.at[pl.ds(base, n_per_w)], idx_v)
        for i in range(n_per_w // 16):
            sl = pl.ds(i * 16, 16)
            idx_v[sl] = lax.rem(idx_v[sl], jnp.int32(period))
        pltpu.async_copy(table_hbm.at[idx_v], rows_v, sem).wait()
        pltpu.sync_copy(rows_v, out_hbm.at[pl.ds(base, n_per_w)])

    return gather_kernel(t, pe_weight)


def _broadcast_add_t(img_t, pe_t):
    b, c, n = img_t.shape
    bb = 8

    def body(img_ref, pe_ref, out_ref):
        out_ref[...] = img_ref[...] + pe_ref[...][None]

    return pl.pallas_call(
        body,
        grid=(b // bb,),
        in_specs=[
            pl.BlockSpec((bb, c, n), lambda i: (i, 0, 0)),
            pl.BlockSpec((c, n), lambda i: (0, 0)),
        ],
        out_specs=pl.BlockSpec((bb, c, n), lambda i: (i, 0, 0)),
        out_shape=jax.ShapeDtypeStruct((b, c, n), jnp.float32),
    )(img_t, pe_t)


def kernel(image_embeds, t, pe_weight):
    b, n, c = image_embeds.shape
    pe = _gather_pe(t.astype(jnp.int32), pe_weight.astype(jnp.float32))
    img_t = jnp.transpose(image_embeds, (0, 2, 1))
    out_t = _broadcast_add_t(img_t, pe.T)
    return jnp.transpose(out_t, (0, 2, 1))

# --- scband reference (transcript-rebuilt; emitter-appended) ---
"""Pipeline reference for scband-circular-positional-embedding-7310034338136 (READ-ONLY COPY).

The authoritative reference and input builder live on the scoring server;
editing this copy changes nothing except your own understanding.
"""

import jax, jax.numpy as jnp
import numpy as np

PERIOD = 10000
EMBED_DIM = 64
B, N, C = 128, 4096, 64

def setup_inputs(seed: int = 0) -> dict:
    key = jax.random.key(seed)
    k1, k2, k3 = jax.random.split(key, 3)
    image_embeds = jax.random.normal(k1, (B, N, C), dtype=jnp.float32)
    t = jax.random.randint(k2, (N,), 0, PERIOD, dtype=jnp.int64 if jax.config.jax_enable_x64 else jnp.int32)
    # learned positional embedding table (module inits to zeros; use small randn for a nontrivial reference)
    pe_weight = jax.random.normal(k3, (PERIOD, EMBED_DIM), dtype=jnp.float32) * 0.02
    return {"image_embeds": image_embeds, "t": t, "pe_weight": pe_weight}

def reference(image_embeds, t, pe_weight):
    # position_ids = (t % period), then expanded over batch and gathered from the table
    position_ids = jnp.mod(t, PERIOD)                      # [N]
    pe = jnp.take(pe_weight, position_ids, axis=0)         # [N, C]
    # unsqueeze(0).expand(B, -1) -> same embedding rows for every batch element
    out = image_embeds + pe[None, :, :]                    # [B, N, C]
    return out

if __name__ == "__main__":
    import jax
    _d = setup_inputs()
    print(jax.jit(kernel)(*tuple(_d.values())))

</pallas_src>

<mosaic_0001>
#map = affine_map<(d0, d1) -> (0)>
#map1 = affine_map<(d0, d1) -> (0, 0)>
module attributes {stable_mosaic.version = 14 : i64} {
  func.func @gather_kernel(%arg0: i32, %arg1: i32, %arg2: memref<4096xi32, #tpu.memory_space<hbm>>, %arg3: memref<10000x64xf32, #tpu.memory_space<hbm>>, %arg4: memref<4096x64xf32, #tpu.memory_space<hbm>>, %arg5: memref<128xi32, #tpu.memory_space<vmem>>, %arg6: memref<128x64xf32, #tpu.memory_space<vmem>>, %arg7: memref<!tpu.dma_semaphore, #tpu.memory_space<semaphore_mem>>) attributes {dimension_semantics = [#tpu.dimension_semantics<core_parallel>, #tpu.dimension_semantics<subcore_parallel>], iteration_bounds = array<i64: 2, 16>, scalar_prefetch = 0 : i64, scratch_operands = 3 : i64, tpu.core_type = #tpu.core_type<sc_vector_subcore>, window_params = [{transform_indices = #map}, {transform_indices = #map1}, {transform_indices = #map1}]} {
    %mul3A = arith.constant 2 : i32
    %mul3A_0 = arith.muli %arg1, %mul3A : i32
    %add3A = arith.addi %mul3A_0, %arg0 : i32
    %mul3A_1 = arith.constant 128 : i32
    %mul3A_2 = arith.muli %add3A, %mul3A_1 : i32
    "tpu.region"() ({
      %run_scoped3A = tpu.sem_alloc : memref<!tpu.dma_semaphore, #tpu.memory_space<semaphore_mem>>
      %dma_start3A_84 = tpu.memref_slice %arg2[%mul3A_2] : memref<4096xi32, #tpu.memory_space<hbm>> -> memref<128xi32, #tpu.memory_space<hbm>>
      %dma_start3A_85 = tpu.memref_slice %arg2[%mul3A_2] : memref<4096xi32, #tpu.memory_space<hbm>> -> memref<128xi32, #tpu.memory_space<hbm>>
      tpu.enqueue_dma source(%dma_start3A_85 : memref<128xi32, #tpu.memory_space<hbm>>) target(%arg5 : memref<128xi32, #tpu.memory_space<vmem>>) target_semaphore(%run_scoped3A : memref<!tpu.dma_semaphore, #tpu.memory_space<semaphore_mem>>)
      %dma_wait3A_86 = tpu.memref_slice %arg2[%mul3A_2] : memref<4096xi32, #tpu.memory_space<hbm>> -> memref<128xi32, #tpu.memory_space<hbm>>
      %dma_wait3A_87 = tpu.memref_slice %arg2[%mul3A_2] : memref<4096xi32, #tpu.memory_space<hbm>> -> memref<128xi32, #tpu.memory_space<hbm>>
      tpu.wait_dma2 semaphore(%run_scoped3A : memref<!tpu.dma_semaphore, #tpu.memory_space<semaphore_mem>>) src(%dma_wait3A_87 : memref<128xi32, #tpu.memory_space<hbm>>) dst(%arg5 : memref<128xi32, #tpu.memory_space<vmem>>)
      tpu.yield
    }) : () -> ()
    %get3A = arith.constant 0 : index
    %get3A_3 = tpu.vector_load %arg5[%get3A] {strides = array<i32>} : memref<128xi32, #tpu.memory_space<vmem>>, vector<16xi32>,
    %get3A_4 = vector.shape_cast %get3A_3 : vector<16xi32> to vector<16xi32>
    %rem3A = arith.constant 10000 : i32
    %rem3A_5 = vector.broadcast %rem3A : i32 to vector<16xi32>
    %rem3A_6 = arith.remsi %get3A_4, %rem3A_5 : vector<16xi32>
    %swap3A = arith.constant 0 : index
    %swap3A_7 = tpu.vector_load %arg5[%swap3A] {strides = array<i32>} : memref<128xi32, #tpu.memory_space<vmem>>, vector<16xi32>,
    %swap3A_8 = vector.shape_cast %swap3A_7 : vector<16xi32> to vector<16xi32>
    %swap3A_9 = vector.shape_cast %rem3A_6 : vector<16xi32> to vector<16xi32>
    tpu.vector_store %arg5[%swap3A], %swap3A_9 {strides = array<i32>} : memref<128xi32, #tpu.memory_space<vmem>>, vector<16xi32>,
    %get3A_10 = arith.constant 16 : index
    %get3A_11 = tpu.vector_load %arg5[%get3A_10] {strides = array<i32>} : memref<128xi32, #tpu.memory_space<vmem>>, vector<16xi32>,
    %get3A_12 = vector.shape_cast %get3A_11 : vector<16xi32> to vector<16xi32>
    %rem3A_13 = arith.constant 10000 : i32
    %rem3A_14 = vector.broadcast %rem3A_13 : i32 to vector<16xi32>
    %rem3A_15 = arith.remsi %get3A_12, %rem3A_14 : vector<16xi32>
    %swap3A_16 = arith.constant 16 : index
    %swap3A_17 = tpu.vector_load %arg5[%swap3A_16] {strides = array<i32>} : memref<128xi32, #tpu.memory_space<vmem>>, vector<16xi32>,
    %swap3A_18 = vector.shape_cast %swap3A_17 : vector<16xi32> to vector<16xi32>
    %swap3A_19 = vector.shape_cast %rem3A_15 : vector<16xi32> to vector<16xi32>
    tpu.vector_store %arg5[%swap3A_16], %swap3A_19 {strides = array<i32>} : memref<128xi32, #tpu.memory_space<vmem>>, vector<16xi32>,
    %get3A_20 = arith.constant 32 : index
    %get3A_21 = tpu.vector_load %arg5[%get3A_20] {strides = array<i32>} : memref<128xi32, #tpu.memory_space<vmem>>, vector<16xi32>,
    %get3A_22 = vector.shape_cast %get3A_21 : vector<16xi32> to vector<16xi32>
    %rem3A_23 = arith.constant 10000 : i32
    %rem3A_24 = vector.broadcast %rem3A_23 : i32 to vector<16xi32>
    %rem3A_25 = arith.remsi %get3A_22, %rem3A_24 : vector<16xi32>
    %swap3A_26 = arith.constant 32 : index
    %swap3A_27 = tpu.vector_load %arg5[%swap3A_26] {strides = array<i32>} : memref<128xi32, #tpu.memory_space<vmem>>, vector<16xi32>,
    %swap3A_28 = vector.shape_cast %swap3A_27 : vector<16xi32> to vector<16xi32>
    %swap3A_29 = vector.shape_cast %rem3A_25 : vector<16xi32> to vector<16xi32>
    tpu.vector_store %arg5[%swap3A_26], %swap3A_29 {strides = array<i32>} : memref<128xi32, #tpu.memory_space<vmem>>, vector<16xi32>,
    %get3A_30 = arith.constant 48 : index
    %get3A_31 = tpu.vector_load %arg5[%get3A_30] {strides = array<i32>} : memref<128xi32, #tpu.memory_space<vmem>>, vector<16xi32>,
    %get3A_32 = vector.shape_cast %get3A_31 : vector<16xi32> to vector<16xi32>
    %rem3A_33 = arith.constant 10000 : i32
    %rem3A_34 = vector.broadcast %rem3A_33 : i32 to vector<16xi32>
    %rem3A_35 = arith.remsi %get3A_32, %rem3A_34 : vector<16xi32>
    %swap3A_36 = arith.constant 48 : index
    %swap3A_37 = tpu.vector_load %arg5[%swap3A_36] {strides = array<i32>} : memref<128xi32, #tpu.memory_space<vmem>>, vector<16xi32>,
    %swap3A_38 = vector.shape_cast %swap3A_37 : vector<16xi32> to vector<16xi32>
    %swap3A_39 = vector.shape_cast %rem3A_35 : vector<16xi32> to vector<16xi32>
    tpu.vector_store %arg5[%swap3A_36], %swap3A_39 {strides = array<i32>} : memref<128xi32, #tpu.memory_space<vmem>>, vector<16xi32>,
    %get3A_40 = arith.constant 64 : index
    %get3A_41 = tpu.vector_load %arg5[%get3A_40] {strides = array<i32>} : memref<128xi32, #tpu.memory_space<vmem>>, vector<16xi32>,
    %get3A_42 = vector.shape_cast %get3A_41 : vector<16xi32> to vector<16xi32>
    %rem3A_43 = arith.constant 10000 : i32
    %rem3A_44 = vector.broadcast %rem3A_43 : i32 to vector<16xi32>
    %rem3A_45 = arith.remsi %get3A_42, %rem3A_44 : vector<16xi32>
    %swap3A_46 = arith.constant 64 : index
    %swap3A_47 = tpu.vector_load %arg5[%swap3A_46] {strides = array<i32>} : memref<128xi32, #tpu.memory_space<vmem>>, vector<16xi32>,
    %swap3A_48 = vector.shape_cast %swap3A_47 : vector<16xi32> to vector<16xi32>
    %swap3A_49 = vector.shape_cast %rem3A_45 : vector<16xi32> to vector<16xi32>
    tpu.vector_store %arg5[%swap3A_46], %swap3A_49 {strides = array<i32>} : memref<128xi32, #tpu.memory_space<vmem>>, vector<16xi32>,
    %get3A_50 = arith.constant 80 : index
    %get3A_51 = tpu.vector_load %arg5[%get3A_50] {strides = array<i32>} : memref<128xi32, #tpu.memory_space<vmem>>, vector<16xi32>,
    %get3A_52 = vector.shape_cast %get3A_51 : vector<16xi32> to vector<16xi32>
    %rem3A_53 = arith.constant 10000 : i32
    %rem3A_54 = vector.broadcast %rem3A_53 : i32 to vector<16xi32>
    %rem3A_55 = arith.remsi %get3A_52, %rem3A_54 : vector<16xi32>
    %swap3A_56 = arith.constant 80 : index
    %swap3A_57 = tpu.vector_load %arg5[%swap3A_56] {strides = array<i32>} : memref<128xi32, #tpu.memory_space<vmem>>, vector<16xi32>,
    %swap3A_58 = vector.shape_cast %swap3A_57 : vector<16xi32> to vector<16xi32>
    %swap3A_59 = vector.shape_cast %rem3A_55 : vector<16xi32> to vector<16xi32>
    tpu.vector_store %arg5[%swap3A_56], %swap3A_59 {strides = array<i32>} : memref<128xi32, #tpu.memory_space<vmem>>, vector<16xi32>,
    %get3A_60 = arith.constant 96 : index
    %get3A_61 = tpu.vector_load %arg5[%get3A_60] {strides = array<i32>} : memref<128xi32, #tpu.memory_space<vmem>>, vector<16xi32>,
    %get3A_62 = vector.shape_cast %get3A_61 : vector<16xi32> to vector<16xi32>
    %rem3A_63 = arith.constant 10000 : i32
    %rem3A_64 = vector.broadcast %rem3A_63 : i32 to vector<16xi32>
    %rem3A_65 = arith.remsi %get3A_62, %rem3A_64 : vector<16xi32>
    %swap3A_66 = arith.constant 96 : index
    %swap3A_67 = tpu.vector_load %arg5[%swap3A_66] {strides = array<i32>} : memref<128xi32, #tpu.memory_space<vmem>>, vector<16xi32>,
    %swap3A_68 = vector.shape_cast %swap3A_67 : vector<16xi32> to vector<16xi32>
    %swap3A_69 = vector.shape_cast %rem3A_65 : vector<16xi32> to vector<16xi32>
    tpu.vector_store %arg5[%swap3A_66], %swap3A_69 {strides = array<i32>} : memref<128xi32, #tpu.memory_space<vmem>>, vector<16xi32>,
    %get3A_70 = arith.constant 112 : index
    %get3A_71 = tpu.vector_load %arg5[%get3A_70] {strides = array<i32>} : memref<128xi32, #tpu.memory_space<vmem>>, vector<16xi32>,
    %get3A_72 = vector.shape_cast %get3A_71 : vector<16xi32> to vector<16xi32>
    %rem3A_73 = arith.constant 10000 : i32
    %rem3A_74 = vector.broadcast %rem3A_73 : i32 to vector<16xi32>
    %rem3A_75 = arith.remsi %get3A_72, %rem3A_74 : vector<16xi32>
    %swap3A_76 = arith.constant 112 : index
    %swap3A_77 = tpu.vector_load %arg5[%swap3A_76] {strides = array<i32>} : memref<128xi32, #tpu.memory_space<vmem>>, vector<16xi32>,
    %swap3A_78 = vector.shape_cast %swap3A_77 : vector<16xi32> to vector<16xi32>
    %swap3A_79 = vector.shape_cast %rem3A_75 : vector<16xi32> to vector<16xi32>
    tpu.vector_store %arg5[%swap3A_76], %swap3A_79 {strides = array<i32>} : memref<128xi32, #tpu.memory_space<vmem>>, vector<16xi32>,
    %dma_start3A = arith.constant 0 : i32
    %dma_start3A_80 = arith.constant 0 : i32
    %dma_start3A_81 = tpu.memref_slice %arg3[%dma_start3A, %dma_start3A_80] : memref<10000x64xf32, #tpu.memory_space<hbm>> -> memref<10000x64xf32, #tpu.memory_space<hbm>>
    tpu.enqueue_indirect_dma source(%dma_start3A_81 : memref<10000x64xf32, #tpu.memory_space<hbm>>) target(%arg6 : memref<128x64xf32, #tpu.memory_space<vmem>>) offsets(%arg5 : memref<128xi32, #tpu.memory_space<vmem>>) semaphore(%arg7 : memref<!tpu.dma_semaphore, #tpu.memory_space<semaphore_mem>>)
    %dma_wait3A = arith.constant 0 : i32
    %dma_wait3A_82 = arith.constant 0 : i32
    %dma_wait3A_83 = tpu.memref_slice %arg3[%dma_wait3A, %dma_wait3A_82] : memref<10000x64xf32, #tpu.memory_space<hbm>> -> memref<10000x64xf32, #tpu.memory_space<hbm>>
    tpu.wait_indirect_dma semaphore(%arg7 : memref<!tpu.dma_semaphore, #tpu.memory_space<semaphore_mem>>) src(%dma_wait3A_83 : memref<10000x64xf32, #tpu.memory_space<hbm>>) dst(%arg6 : memref<128x64xf32, #tpu.memory_space<vmem>>)
    "tpu.region"() ({
      %run_scoped3A = tpu.sem_alloc : memref<!tpu.dma_semaphore, #tpu.memory_space<semaphore_mem>>
      %dma_start3A_84 = arith.constant 0 : i32
      %dma_start3A_85 = tpu.memref_slice %arg4[%mul3A_2, %dma_start3A_84] : memref<4096x64xf32, #tpu.memory_space<hbm>> -> memref<128x64xf32, #tpu.memory_space<hbm>>
      %dma_start3A_86 = arith.constant 0 : i32
      %dma_start3A_87 = tpu.memref_slice %arg4[%mul3A_2, %dma_start3A_86] : memref<4096x64xf32, #tpu.memory_space<hbm>> -> memref<128x64xf32, #tpu.memory_space<hbm>>
      tpu.enqueue_dma source(%arg6 : memref<128x64xf32, #tpu.memory_space<vmem>>) target(%dma_start3A_87 : memref<128x64xf32, #tpu.memory_space<hbm>>) target_semaphore(%run_scoped3A : memref<!tpu.dma_semaphore, #tpu.memory_space<semaphore_mem>>)
      %dma_wait3A_88 = arith.constant 0 : i32
      %dma_wait3A_89 = tpu.memref_slice %arg4[%mul3A_2, %dma_wait3A_88] : memref<4096x64xf32, #tpu.memory_space<hbm>> -> memref<128x64xf32, #tpu.memory_space<hbm>>
      %dma_wait3A_90 = arith.constant 0 : i32
      %dma_wait3A_91 = tpu.memref_slice %arg4[%mul3A_2, %dma_wait3A_90] : memref<4096x64xf32, #tpu.memory_space<hbm>> -> memref<128x64xf32, #tpu.memory_space<hbm>>
      tpu.wait_dma2 semaphore(%run_scoped3A : memref<!tpu.dma_semaphore, #tpu.memory_space<semaphore_mem>>) src(%arg6 : memref<128x64xf32, #tpu.memory_space<vmem>>) dst(%dma_wait3A_91 : memref<128x64xf32, #tpu.memory_space<hbm>>)
      tpu.yield
    }) : () -> ()
    return
  }
}

module attributes {stable_mosaic.version = 14 : i64} {
  func.func @body(%arg0: i32, %arg1: memref<8x64x4096xf32, #tpu.memory_space<vmem>>, %arg2: memref<64x4096xf32, #tpu.memory_space<vmem>>, %arg3: memref<8x64x4096xf32, #tpu.memory_space<vmem>>) attributes {dimension_semantics = [#tpu.dimension_semantics<arbitrary>], iteration_bounds = array<i64: 16>, scalar_prefetch = 0 : i64, scratch_operands = 0 : i64, tpu.core_type = #tpu.core_type<tc>, window_params = [{transform_indices = @transform_0, window_bounds = array<i64: 8, 64, 4096>}, {pipeline_mode = #tpu.pipeline_mode<synchronous>, transform_indices = @transform_1, window_bounds = array<i64: 64, 4096>}, {transform_indices = @transform_2, window_bounds = array<i64: 8, 64, 4096>}]} {
    %get3A = arith.constant 0 : index
    %get3A_0 = arith.constant 0 : index
    %get3A_1 = arith.constant 0 : index
    %get3A_2 = vector.load %arg1[%get3A, %get3A_0, %get3A_1] : memref<8x64x4096xf32, #tpu.memory_space<vmem>>, vector<8x64x4096xf32>
    %get3A_3 = arith.constant 0 : index
    %get3A_4 = arith.constant 0 : index
    %get3A_5 = vector.load %arg2[%get3A_3, %get3A_4] : memref<64x4096xf32, #tpu.memory_space<vmem>>, vector<64x4096xf32>
    %broadcast_in_dim3A = vector.shape_cast %get3A_5 : vector<64x4096xf32> to vector<1x64x4096xf32>
    %add3A = vector.broadcast %broadcast_in_dim3A : vector<1x64x4096xf32> to vector<8x64x4096xf32>
    %add3A_6 = arith.addf %get3A_2, %add3A : vector<8x64x4096xf32>
    %swap3A = arith.constant 0 : index
    %swap3A_7 = arith.constant 0 : index
    %swap3A_8 = arith.constant 0 : index
    %swap3A_9 = vector.load %arg3[%swap3A, %swap3A_7, %swap3A_8] : memref<8x64x4096xf32, #tpu.memory_space<vmem>>, vector<8x64x4096xf32>
    tpu.vector_store %arg3[%swap3A, %swap3A_7, %swap3A_8], %add3A_6 {strides = array<i32>} : memref<8x64x4096xf32, #tpu.memory_space<vmem>>, vector<8x64x4096xf32>,
    return
  }
  func.func @transform_0(%arg0: i32) -> (i32, i32, i32) {
    %c0_i32 = arith.constant 0 : i32
    %c0_i32_0 = arith.constant 0 : i32
    %c0_i32_1 = arith.constant 0 : i32
    return %arg0, %c0_i32, %c0_i32_0 : i32, i32, i32
  }
  func.func @transform_1(%arg0: i32) -> (i32, i32) {
    %c0_i32 = arith.constant 0 : i32
    %c0_i32_0 = arith.constant 0 : i32
    %c0_i32_1 = arith.constant 0 : i32
    return %c0_i32, %c0_i32_0 : i32, i32
  }
  func.func @transform_2(%arg0: i32) -> (i32, i32, i32) {
    %c0_i32 = arith.constant 0 : i32
    %c0_i32_0 = arith.constant 0 : i32
    %c0_i32_1 = arith.constant 0 : i32
    return %arg0, %c0_i32, %c0_i32_0 : i32, i32, i32
  }
}

</mosaic_0001>

<sc_bundles>
// kernel: kernel.4.cloned.1.call-start
scs
__scs_entry_jumppad:
0x0: {  	(pc) =	sbr.rel $0x88, $3  }
0x1: {  	(tag) =	ssettag $0x0;
	lr =	simm.s32 $0x1  }
0x2: {  	[smem:$0x3F9E] =	sst lr;
	_ =	strace $0xD0000000  }
0x3: {  	_ = 	snop  }
0x4: {  	_ = 	snop  }
0x5: {  	_ = 	snop  }
0x6: {  	_ = 	snop  }
0x7: {  	_ = 	snop  }
__scs_overlays_trampoline_lowered:
0x8: {  	[smem:$0x3FAD] =	sst s0  }
0x9: {  	[smem:$0x3FAE] =	sst s1  }
0xa: {  	[smem:$0x3FAF] =	sst s2  }
0xb: {  	[smem:$0x3FB0] =	sst s3  }
0xc: {  	[smem:$0x3FB1] =	sst s4  }
0xd: {  	[smem:$0x3FB2] =	sst s5  }
0xe: {  	[smem:$0x3FB3] =	sst s6  }
0xf: {  	[smem:$0x3FB4] =	sst s7  }
0x10: {  	[smem:$0x3FB5] =	sst s8  }
0x11: {  	[smem:$0x3FB6] =	sst s9;
	s0 =	simm.s32 @!p0 $0x0  }
0x12: {  	s1 =	sld [smem:$0x3F9C];
	s0 =	simm.s32 @p0 $0x1  }
0x13: {  	[smem:$0x3FB7] =	sst s0;
	s0 =	simm.s32 @!p1 $0x0  }
0x14: {  	s2 =	sld [smem:$0x3F9B];
	s0 =	simm.s32 @p1 $0x1  }
0x15: {  	[smem:$0x3FB8] =	sst s0;
	s0 =	simm.s32 @!p2 $0x0  }
0x16: {  	s3 =	sld [smem:$0x3FDB];
	s0 =	simm.s32 @p2 $0x1  }
0x17: {  	s4 =	simm.s32 $0x1BF5;
	[smem:$0x3FBA] =	sst s0  }
0x18: {  	s0 =	sld [smem:$0x3F9D];
	_ =	swait.ge [sflag:s4], $0x0  }
0x19: {  	s7 =	sld [smem:$0x3F9E]  }
0x1a: {  	s8 =	sadd.s32 $0xFFFFE003, lr  }
0x1b: {  	s9 =	sadd.s32 $0xFFFFFEF7, lr;
	s5 =	simm.s32 $0xFFFFFFFF;
	p2 =	slt.u32 s8, $0xFFFFF086  }
0x1c: {  	p1 =	slt.u32 s9, $0xF7A;
	s5 =	simm.s32 @!p2 $0x0  }
0x1d: {  	s5 =	simm.s32 @p1 $0x1;
	p0 =	seq.s32 s7, s2  }
0x1e: {  	s7 =	smul.u32 @!p0 $0xF7A, s2;
	p2 =	seq.s32 @!p0 s5, $0x0  }
0x1f: {  	s9 =	smul.u32 $0xF7A, s1;
	s8 =	simm.s32 @!p0 $0x1BF5;
	p2 =	por !p2, p0  }
0x20: {  	[sflag:s8] =	ssyncset.s32 @!p0 $0xFFFFF086;
	s6 =	sadd.s32 @!p0 s3, s7;
	s7 =	simm.s32 @!p0 $0x108  }
0x21: {  	s3 =	sadd.s32 s3, s9;
	s6 =	sadd.s32 @!p0 $0x88, s6;
	s7 =	simm.s32 @p2 $0x1082  }
0x22: {  	[simem:s7], [sflag:s8] =	dma.local @!p0 [hbm:s6], $0xF7A  }
0x23: {  	s9 =	sor.u32 $0xD0000000, s2;
	s6 =	simm.s32 $0x108;
	_ =	swait.ge @!p0 [sflag:s8], $0x0  }
0x24: {  	s3 =	sadd.s32 $0x88, s3;
	s6 =	simm.s32 @!p1 $0x1082;
	[sflag:s4] =	ssyncset.s32 $0xFFFFF086  }
0x25: {  	[simem:s6], [sflag:s4] =	dma.local [hbm:s3], $0xF7A  }
0x26: {  	[smem:$0x3F9E] =	sst s1;
	(tag) =	ssettag s2;
	_ =	strace s9  }
0x27: {  	s1 =	sld [smem:$0x3FAE]  }
0x28: {  	s2 =	sld [smem:$0x3FAF]  }
0x29: {  	s4 =	sld [smem:$0x3FB1]  }
0x2a: {  	p0 =	seq.s32 s5, $0x0;
	s5 =	sld [smem:$0x3FB2]  }
0x2b: {  	s6 =	sld [smem:$0x3FB3]  }
0x2c: {  	s7 =	sld [smem:$0x3FB4]  }
0x2d: {  	s3 =	simm.s32 $0x108;
	s8 =	sld [smem:$0x3FB5]  }
0x2e: {  	s3 =	simm.s32 @!p0 $0x1082;
	s9 =	sld [smem:$0x3FB6]  }
0x2f: {  	lr =	sadd.s32 s0, s3;
	s0 =	sld [smem:$0x3FAD]  }
0x30: {  	s3 =	sld [smem:$0x3FB0]  }
0x31: {  	[smem:$0x3FB9] =	sst s10  }
0x32: {  	s10 =	sld [smem:$0x3FB7];
	_ =	sdelay $0x3  }
0x33: {  	p0 =	seq.s32 s10, $0x1;
	s10 =	sld [smem:$0x3FB9];
	_ =	sdelay $0x3  }
0x34: {  	[smem:$0x3FB9] =	sst s10  }
0x35: {  	s10 =	sld [smem:$0x3FB8];
	_ =	sdelay $0x3  }
0x36: {  	p1 =	seq.s32 s10, $0x1;
	s10 =	sld [smem:$0x3FB9];
	_ =	sdelay $0x3  }
0x37: {  	[smem:$0x3FB9] =	sst s10  }
0x38: {  	s10 =	sld [smem:$0x3FBA]  }
0x39: {  	_ = 	snop;
	(pc) =	sbr.ind lr, $3  }
0x3a: {  	_ = 	snop  }
0x3b: {  	_ = 	snop  }
0x3c: {  	p2 =	seq.s32 s10, $0x1;
	s10 =	sld [smem:$0x3FB9]  }
0x3d: {  	_ =	shalt  }
0x3e: {  	_ =	shalt  }
0x3f: {  	_ =	shalt  }
0x40: {  	_ =	shalt  }
0x41: {  	_ =	shalt  }
0x42: {  	_ =	shalt  }
0x43: {  	_ =	shalt  }
0x44: {  	_ =	shalt  }
0x45: {  	_ =	shalt  }
0x46: {  	_ =	shalt  }
0x47: {  	_ =	shalt  }
0x48: {  	_ =	shalt  }
0x49: {  	_ =	shalt  }
0x4a: {  	_ =	shalt  }
0x4b: {  	_ =	shalt  }
0x4c: {  	_ =	shalt  }
0x4d: {  	_ =	shalt  }
0x4e: {  	_ =	shalt  }
0x4f: {  	_ =	shalt  }
0x50: {  	_ =	shalt  }
0x51: {  	_ =	shalt  }
0x52: {  	_ =	shalt  }
0x53: {  	_ =	shalt  }
0x54: {  	_ =	shalt  }
0x55: {  	_ =	shalt  }
0x56: {  	_ =	shalt  }
0x57: {  	_ =	shalt  }
0x58: {  	_ =	shalt  }
0x59: {  	_ =	shalt  }
0x5a: {  	_ =	shalt  }
0x5b: {  	_ =	shalt  }
0x5c: {  	_ =	shalt  }
0x5d: {  	_ =	shalt  }
0x5e: {  	_ =	shalt  }
0x5f: {  	_ =	shalt  }
0x60: {  	_ =	shalt  }
0x61: {  	_ =	shalt  }
0x62: {  	_ =	shalt  }
0x63: {  	_ =	shalt  }
0x64: {  	_ =	shalt  }
0x65: {  	_ =	shalt  }
0x66: {  	_ =	shalt  }
0x67: {  	_ =	shalt  }
0x68: {  	_ =	shalt  }
0x69: {  	_ =	shalt  }
0x6a: {  	_ =	shalt  }
0x6b: {  	_ =	shalt  }
0x6c: {  	_ =	shalt  }
0x6d: {  	_ =	shalt  }
0x6e: {  	_ =	shalt  }
0x6f: {  	_ =	shalt  }
0x70: {  	_ =	shalt  }
0x71: {  	_ =	shalt  }
0x72: {  	_ =	shalt  }
0x73: {  	_ =	shalt  }
0x74: {  	_ =	shalt  }
0x75: {  	_ =	shalt  }
0x76: {  	_ =	shalt  }
0x77: {  	_ =	shalt  }
0x78: {  	_ =	shalt  }
0x79: {  	_ =	shalt  }
0x7a: {  	_ =	shalt  }
0x7b: {  	_ =	shalt  }
0x7c: {  	_ =	shalt  }
0x7d: {  	_ =	shalt  }
0x7e: {  	_ =	shalt  }
0x7f: {  	_ =	shalt  }
0x80: {  	_ =	shalt  }
0x81: {  	_ =	shalt  }
0x82: {  	_ =	shalt  }
0x83: {  	_ =	shalt  }
0x84: {  	_ =	shalt  }
0x85: {  	_ =	shalt  }
0x86: {  	_ =	shalt  }
0x87: {  	_ =	shalt  }
.Lfunc_end0:
.L_simem_size_0:
called_computation_lowered:
.L_overlay_start_0:
0x88: {  	s2 =	sld [smem:$0x3FD9]  }
0x89: {  	s3 =	sld [smem:$0x3FFE];
	_ =	sdelay $0x1  }
0x8a: {  	s1 =	srdreg.scid  }
0x8b: {  	s0 =	sand.u32 $0x1, s1  }
0x8c: {  	s17 =	sshll.u32 s0, $0xA;
	s2 =	sadd.s32 s3, s2  }
0x8d: {  	s2 =	sadd.s32 s2, s17  }
0x8e: {  	[smem:$0x3FC5] =	sst s2  }
0x8f: {  	_ = 	snop  }
0x90: {  	s2 =	sld [smem:$0x3FC8]  }
0x91: {  	s18 =	sld [smem:$0x3FD0];
	(tm) =	ssettm $0x1  }
0x92: {  	s4 =	sld [smem:$0x3FFB];
	_ =	sdelay $0x3  }
0x93: {  	_ =	strace s4  }
0x94: {  	s4 =	sld [smem:$0x3FFC];
	_ =	sdelay $0x3  }
0x95: {  	_ =	strace s4  }
0x96: {  	s4 =	sld [smem:$0x3FFD];
	_ =	sdelay $0x3  }
0x97: {  	_ =	strace s4  }
0x98: {  	_ =	strace $0x8FFFFFFF  }
0x99: {  	s19 =	sld [smem:$0x3FDB];
	_ =	sdelay $0x1  }
0x9a: {  	s5 =	simm.s32 $_scs_section_size  }
0x9b: {  	s6 =	simm.s32 $_size__tile_overlayer_lowered;
	s7 =	simm.s32 $_tile_overlayer_lowered  }
0x9c: {  	s22 =	simm.s32 $0x1BFF;
	s21 =	sshll.u32 s7, $0x1;
	s4 =	sadd.s32 s5, s19  }
0x9d: {  	s8 =	simm.s32 $0x0;
	s20 =	sshll.u32 s6, $0x1;
	s6 =	sadd.s32 s21, s4  }
0x9e: {  	[timem:s8], [sflag:s22] =	dma.local [hbm:s6], s20  }
0x9f: {  	_ =	swait.ge [sflag:s22], s20  }
0xa0: {  	s5 =	ssub.s32 $0x0, s20;
	[sflag:s22] =	ssyncset.done $0x0  }
0xa1: {  	[sflag:s22] =	ssyncadd.s32 s5;
	_ =	sdelay $0x1  }
0xa2: {  	s23 =	simm.s32 $0x1B8B  }
0xa3: {  	_ =	swait.ge [sflag:s23], $0x1  }
0xa4: {  	[sflag:s23] =	ssyncset.done $0x0  }
0xa5: {  	s25 =	simm.s32 $0x1B8E;
	s24 =	sld [smem:$0x3FFE];
	[sflag:s23] =	ssyncadd.s32 $0xFFFFFFFF  }
0xa6: {  	s26 =	simm.s32 $execute0_lowered;
	[smem:$0x3FD2] =	sst s25  }
0xa7: {  	s6 =	sshll.u32 s26, $0x1;
	_ =	strace $0x80000046;
	[dreg:$0x1] =	wrdreg $0xFFFFFFFF  }
0xa8: {  	s28 =	simm.s32 $_size_execute0_lowered;
	s4 =	sadd.s32 s4, s6;
	[dreg:$0x0] =	wrdreg $0x0  }
0xa9: {  	s6 =	sshll.u32 s28, $0x1;
	[dreg:$0x2] =	wrdreg s4  }
0xaa: {  	[dreg:$0x3] =	wrdreg s6  }
0xab: {  	[dreg:$0x4] =	wrdreg $0xC0  }
0xac: {  	_ =	task [dreg:s8], $0x5FFFF  }
0xad: {  	[dreg:$0x1] =	wrdreg $0xFFFFFFFF  }
0xae: {  	[dreg:$0x0] =	wrdreg $0x60  }
0xaf: {  	[dreg:$0x2] =	wrdreg s2  }
0xb0: {  	[dreg:$0x3] =	wrdreg s18  }
0xb1: {  	[dreg:$0x4] =	wrdreg s24  }
0xb2: {  	[dreg:$0x5] =	wrdreg $0x9  }
0xb3: {  	_ =	task.clear_ibuf [dreg:s8], $0x6FFFF;
	_ =	strace $0x90000046  }
0xb4: {  	s29 =	simm.s32 $0x9;
	_ =	strace $0x80000048  }
0xb5: {  	_ =	swait.ge [sflag:s29], $0x1  }
0xb6: {  	[sflag:s29] =	ssyncadd.s32 $0xFFFFFFFF  }
0xb7: {  	_ =	strace $0x90000048  }
0xb8: {  	_ =	sfence  }
0xb9: {  	s30 =	sld [smem:$0x0];
	_ =	sdelay $0x2  }
0xba: {  	s31 =	sshll.u32 s1, $0xD;
	s1 =	sshrl.u32 s1, $0x2  }
0xbb: {  	s3 =	sand.u32 $0x4000, s31;
	s1 =	sadd.s32 s1, s30  }
0xbc: {  	s0 =	sor.u32 s3, s0;
	s1 =	sshll.u32 s1, $0x11  }
0xbd: {  	s0 =	sor.u32 s1, s0  }
0xbe: {  	s0 =	sadd.s32 $0x8F2B, s0  }
0xbf: {  	[sflag:s0] =	ssyncadd.remote.s32 $0x1  }
0xc0: {  	_ =	sfence.sel $0xFFFF  }
0xc1: {  	[dreg:$0x0] =	wrdreg $0xFFFFFFFF;
	(pc) =	sbr.abs _section_cstart, $3  }
0xc2: {  	[dreg:$0x1] =	wrdreg $0xFFFFFFFF  }
0xc3: {  	_ =	task.clear_ibuf [dreg:s8], $0x2FFFF;
	_ =	strace $0x9FFFFFFF  }
0xc4: {  	(tm) =	ssettm $0x7FFFFFFF  }
0xc5: {  	_ =	shalt  }
tec
execute0_lowered:
.L_overlay_start_1:
0x0: {  	(tag) =	ssettag $0x1  }
0x1: {  	s0 =	rddreg [dreg:$0x0]  }
0x2: {  	s1 =	rddreg [dreg:$0x1];
	s2 =	srdreg.scid;
	s4 =	simm.s32 $0x0  }
0x3: {  	v0 =	vimm.s32 $0xECA86420;
	s3 =	stileid.u32;
	vm0 =	vcmask $0xB08;
	vm1 =	vcmask $0x1310;
	[dreg:$0x5] =	wrdreg s1;
	s2 =	sand.u32 $0x1, s2  }
0x4: {  	vm2 =	vcmask $0x1B18;
	vm3 =	vcmask $0x300;
	vm4 =	vcmask $0x2320;
	[smem:$0x7FF] =	sst s4;
	s3 =	sshll.u32 s3, $0x8;
	s29 =	sshll.u32 s2, $0x7  }
0x5: {  	s28 =	rddreg [dreg:$0x2];
	vm5 =	vcmask $0x2B28;
	vm6 =	vcmask $0x3330;
	vm7 =	vcmask $0x3B38;
	_ =	strace $0x80000047;
	s3 =	sor.u32 s29, s3  }
0x6: {  	v1 =	vlaneseq.u32;
	vm8 =	vmmov $0xff;
	vm9 =	vcmask $0x704;
	s2 =	ssub.s32 $0x2, s2;
	s4 =	sshll.u32 s3, $0x3;
	s3 =	sshrl.u32 s3, $0x3  }
0x7: {  	vm10 =	vcmask $0xF0C;
	vm11 =	vcmask $0x1714;
	v0 =	vunpack.c.l.s4.s8 v0;
	s30 =	sshrl.u32 s2, $0x1;
	s1 =	sadd.s32 s4, s28;
	s0 =	sadd.s32 s0, s3  }
0x8: {  	vm12 =	vcmask $0x1F1C;
	vm13 =	vcmask $0x2724;
	vm14 =	vcmask $0x2F2C;
	s2 =	ssub.s32 s2, s30;
	[dreg:$0x4] =	wrdreg s0;
	s31 =	sadd.s32 $0x400, s1  }
0x9: {  	vm15 =	vcmask $0x3734;
	v1 =	vmul.u32 $0x2, v1;
	v0 =	vunpack.c.0.s8.s32 v0;
	s0 =	smax.u32 s2, $0x1;
	[dreg:$0x6] =	wrdreg s31  }
.LBB2_1:
0xa: {  	[dreg:$0x7] =	wrdreg s0  }
0xb: {  	s25 =	rddreg [dreg:$0x4];
	s1 =	simm.s32 $0x0;
	s26 =	simm.s32 $0x2  }
0xc: {  	[tilespmem:s1], [sflag:$0x2] =	stream.linear.gather [hbm4b:s25+s1], $0x80, $0x38;
	[tilespmem:$0x2080] =	vst v63  }
0xd: {  	_ =	swait.ge [sflag:s26], $0x80  }
0xe: {  	[sflag:s26] =	ssyncset.done $0x0  }
0xf: {  	[sflag:s26] =	ssyncadd.s32 $0xFFFFFF80  }
0x10: {  	v3 =	vld [tilespmem:$0x0];
	_ =	sdelay $0x4  }
0x11: {  	(v2sf) =	vpush v3, $0xD;
	_ =	sdelay $0x1  }
0x12: {  	(v2sf) =	vpush v3, $0xC;
	_ =	sdelay $0x1  }
0x13: {  	(v2sf) =	vpush v3, $0xE;
	_ =	sdelay $0x1  }
0x14: {  	(v2sf) =	vpush v3, $0xF;
	_ =	sdelay $0x1  }
0x15: {  	(v2sf) =	vpush v3, $0x9;
	_ =	sdelay $0x1  }
0x16: {  	(v2sf) =	vpush v3, $0x8;
	_ =	sdelay $0x1  }
0x17: {  	(v2sf) =	vpush v3, $0xA  }
0x18: {  	(v2sf) =	vpush v3, $0xB;
	_ =	sdelay $0x1  }
0x19: {  	s28 =	spop (v2sf)  }
0x1a: {  	(v2sf) =	vpush v3, $0x0;
	s29 =	smulhi.u32 $0x68DB8BAD, s28;
	s0 =	sshra.s32 s28, $0x1F  }
0x1b: {  	s30 =	spop (v2sf);
	s14 =	smul.u32 $0x68DB8BAD, s0  }
0x1c: {  	(v2sf) =	vpush v3, $0x1;
	s13 =	smulhi.u32 $0x68DB8BAD, s30;
	s0 =	sshra.s32 s30, $0x1F  }
0x1d: {  	s31 =	spop (v2sf);
	s16 =	smul.u32 $0x68DB8BAD, s0  }
0x1e: {  	(v2sf) =	vpush v3, $0x2;
	s15 =	smulhi.u32 $0x68DB8BAD, s31;
	s0 =	sshra.s32 s31, $0x1F  }
0x1f: {  	s1 =	spop (v2sf);
	s18 =	smul.u32 $0x68DB8BAD, s0  }
0x20: {  	(v2sf) =	vpush v3, $0x3;
	s17 =	smulhi.u32 $0x68DB8BAD, s1;
	s0 =	sshra.s32 s1, $0x1F  }
0x21: {  	s2 =	spop (v2sf);
	s20 =	smul.u32 $0x68DB8BAD, s0  }
0x22: {  	(v2sf) =	vpush v3, $0x4;
	s19 =	smulhi.u32 $0x68DB8BAD, s2;
	s0 =	sshra.s32 s2, $0x1F  }
0x23: {  	s3 =	spop (v2sf);
	(v2sf) =	vpush v3, $0x5;
	s22 =	smul.u32 $0x68DB8BAD, s0  }
0x24: {  	v2 =	vld [tilespmem:$0x10];
	s21 =	smulhi.u32 $0x68DB8BAD, s3;
	s0 =	sshra.s32 s3, $0x1F  }
0x25: {  	s4 =	spop (v2sf);
	(v2sf) =	vpush v3, $0x6;
	s24 =	smul.u32 $0x68DB8BAD, s0  }
0x26: {  	s23 =	smulhi.u32 $0x68DB8BAD, s4;
	s0 =	sshra.s32 s4, $0x1F;
	s5 =	spop (v2sf);
	(v2sf) =	vpush v3, $0x7  }
0x27: {  	s26 =	smul.u32 $0x68DB8BAD, s0  }
0x28: {  	[smem:$0x73E] =	sst s29;
	s25 =	smulhi.u32 $0x68DB8BAD, s5;
	s0 =	sshra.s32 s5, $0x1F  }
0x29: {  	s29 =	smul.u32 $0x68DB8BAD, s0;
	s6 =	spop (v2sf);
	(v2sf) =	vpush v2, $0xD  }
0x2a: {  	s28 =	smulhi.u32 $0x68DB8BAD, s6;
	s0 =	sshra.s32 s6, $0x1F  }
0x2b: {  	s7 =	spop (v2sf);
	s10 =	smul.u32 $0x68DB8BAD, s0  }
0x2c: {  	(v2sf) =	vpush v2, $0xC;
	s30 =	smulhi.u32 $0x68DB8BAD, s7;
	s0 =	sshra.s32 s7, $0x1F  }
0x2d: {  	s8 =	spop (v2sf);
	s1 =	smul.u32 $0x68DB8BAD, s0  }
0x2e: {  	s31 =	smulhi.u32 $0x68DB8BAD, s8;
	s0 =	sshra.s32 s8, $0x1F  }
0x2f: {  	(v2sf) =	vpush v2, $0xE;
	s9 =	spop (v2sf);
	s3 =	smul.u32 $0x68DB8BAD, s0  }
0x30: {  	s2 =	smulhi.u32 $0x68DB8BAD, s9;
	s0 =	sshra.s32 s9, $0x1F  }
0x31: {  	s11 =	spop (v2sf);
	s4 =	smul.u32 $0x68DB8BAD, s0  }
0x32: {  	(v2sf) =	vpush v2, $0xF;
	s12 =	smulhi.u32 $0x68DB8BAD, s11;
	s0 =	sshra.s32 s11, $0x1F;
	s5 =	spop (v2sf)  }
0x33: {  	[smem:$0x73F] =	sst s2;
	s7 =	smul.u32 $0x68DB8BAD, s0  }
0x34: {  	s6 =	smulhi.u32 $0x68DB8BAD, s5;
	s8 =	spop (v2sf)  }
0x35: {  	(v2sf) =	vpush v2, $0x9;
	s0 =	sshra.s32 s5, $0x1F;
	s9 =	smulhi.u32 $0x68DB8BAD, s8;
	s11 =	spop (v2sf)  }
0x36: {  	[smem:$0x741] =	sst s6;
	s6 =	smul.u32 $0x68DB8BAD, s0  }
0x37: {  	[smem:$0x740] =	sst s12;
	s0 =	sshra.s32 s8, $0x1F;
	s5 =	smulhi.u32 $0x68DB8BAD, s11  }
0x38: {  	(v2sf) =	vpush v2, $0x8;
	s2 =	smul.u32 $0x68DB8BAD, s0;
	s0 =	sshra.s32 s11, $0x1F;
	s12 =	spop (v2sf)  }
0x39: {  	[smem:$0x743] =	sst s5;
	s5 =	smul.u32 $0x68DB8BAD, s0;
	s0 =	sshra.s32 s12, $0x1F  }
0x3a: {  	(v2sf) =	vpush v2, $0xA;
	[smem:$0x742] =	sst s9;
	s0 =	smul.u32 $0x68DB8BAD, s0  }
0x3b: {  	s8 =	smulhi.u32 $0x68DB8BAD, s12;
	s9 =	spop (v2sf)  }
0x3c: {  	(v2sf) =	vpush v2, $0xB;
	s11 =	smulhi.u32 $0x68DB8BAD, s9;
	[smem:$0x745] =	sst s0;
	s0 =	sshra.s32 s9, $0x1F  }
0x3d: {  	s0 =	smul.u32 $0x68DB8BAD, s0  }
0x3e: {  	(v2sf) =	vpush v2, $0x0;
	s12 =	spop (v2sf);
	[smem:$0x744] =	sst s8  }
0x3f: {  	[smem:$0x747] =	sst s0;
	s0 =	sshra.s32 s12, $0x1F  }
0x40: {  	[smem:$0x746] =	sst s11;
	s0 =	smul.u32 $0x68DB8BAD, s0  }
0x41: {  	(v2sf) =	vpush v2, $0x1;
	s9 =	smulhi.u32 $0x68DB8BAD, s12;
	s11 =	spop (v2sf)  }
0x42: {  	[smem:$0x749] =	sst s0;
	s0 =	sshra.s32 s11, $0x1F  }
0x43: {  	(v2sf) =	vpush v2, $0x2;
	[smem:$0x748] =	sst s9;
	s0 =	smul.u32 $0x68DB8BAD, s0  }
0x44: {  	s9 =	spop (v2sf);
	s12 =	smulhi.u32 $0x68DB8BAD, s11  }
0x45: {  	s11 =	smulhi.u32 $0x68DB8BAD, s9;
	[smem:$0x74B] =	sst s0;
	s0 =	sshra.s32 s9, $0x1F  }
0x46: {  	(v2sf) =	vpush v2, $0x3;
	[smem:$0x74A] =	sst s12;
	s0 =	smul.u32 $0x68DB8BAD, s0  }
0x47: {  	s12 =	spop (v2sf);
	[smem:$0x74C] =	sst s11  }
0x48: {  	s9 =	smulhi.u32 $0x68DB8BAD, s12;
	[smem:$0x74D] =	sst s0;
	s0 =	sshra.s32 s12, $0x1F  }
0x49: {  	s11 =	spop (v2sf);
	s0 =	smul.u32 $0x68DB8BAD, s0  }
0x4a: {  	(v2sf) =	vpush v2, $0x4;
	[smem:$0x74E] =	sst s9;
	s12 =	smulhi.u32 $0x68DB8BAD, s11  }
0x4b: {  	s9 =	spop (v2sf);
	[smem:$0x74F] =	sst s0;
	s0 =	sshra.s32 s11, $0x1F  }
0x4c: {  	[smem:$0x750] =	sst s12;
	s0 =	smul.u32 $0x68DB8BAD, s0  }
0x4d: {  	s12 =	spop (v2sf);
	s11 =	smulhi.u32 $0x68DB8BAD, s9  }
0x4e: {  	(v2sf) =	vpush v2, $0x5;
	[smem:$0x751] =	sst s0;
	s0 =	sshra.s32 s9, $0x1F;
	s9 =	smulhi.u32 $0x68DB8BAD, s12  }
0x4f: {  	[smem:$0x752] =	sst s11;
	s0 =	smul.u32 $0x68DB8BAD, s0  }
0x50: {  	s11 =	spop (v2sf);
	[smem:$0x754] =	sst s9  }
0x51: {  	s9 =	smulhi.u32 $0x68DB8BAD, s11;
	[smem:$0x753] =	sst s0;
	s0 =	sshra.s32 s12, $0x1F  }
0x52: {  	(v2sf) =	vpush v2, $0x6;
	s12 =	spop (v2sf);
	s8 =	smul.u32 $0x68DB8BAD, s0  }
0x53: {  	s0 =	sshra.s32 s11, $0x1F;
	s11 =	smulhi.u32 $0x68DB8BAD, s12  }
0x54: {  	[smem:$0x755] =	sst s9;
	s9 =	smul.u32 $0x68DB8BAD, s0  }
0x55: {  	v4 =	vld [tilespmem:$0x20];
	[smem:$0x756] =	sst s11;
	s11 =	spop (v2sf)  }
0x56: {  	(v2sf) =	vpush v2, $0x7;
	s0 =	sshra.s32 s12, $0x1F;
	s12 =	smulhi.u32 $0x68DB8BAD, s11;
	s11 =	sshra.s32 s11, $0x1F  }
0x57: {  	s11 =	smul.u32 $0x68DB8BAD, s11;
	_ =	sdelay $0x1  }
0x58: {  	[smem:$0x758] =	sst s11;
	s11 =	spop (v2sf)  }
0x59: {  	(v2sf) =	vpush v4, $0xD;
	[smem:$0x757] =	sst s12;
	s12 =	smulhi.u32 $0x68DB8BAD, s11;
	s11 =	sshra.s32 s11, $0x1F  }
0x5a: {  	s11 =	smul.u32 $0x68DB8BAD, s11;
	_ =	sdelay $0x1  }
0x5b: {  	[smem:$0x75A] =	sst s11;
	s11 =	spop (v2sf)  }
0x5c: {  	(v2sf) =	vpush v4, $0xC;
	[smem:$0x759] =	sst s12;
	s12 =	smulhi.u32 $0x68DB8BAD, s11;
	s11 =	sshra.s32 s11, $0x1F  }
0x5d: {  	s11 =	smul.u32 $0x68DB8BAD, s11;
	_ =	sdelay $0x1  }
0x5e: {  	[smem:$0x75C] =	sst s11;
	s11 =	spop (v2sf)  }
0x5f: {  	(v2sf) =	vpush v4, $0xE;
	[smem:$0x75B] =	sst s12;
	s12 =	smulhi.u32 $0x68DB8BAD, s11;
	s11 =	sshra.s32 s11, $0x1F  }
0x60: {  	s11 =	smul.u32 $0x68DB8BAD, s11;
	_ =	sdelay $0x1  }
0x61: {  	[smem:$0x75E] =	sst s11;
	s11 =	spop (v2sf)  }
0x62: {  	(v2sf) =	vpush v4, $0xF;
	[smem:$0x75D] =	sst s12;
	s12 =	smulhi.u32 $0x68DB8BAD, s11;
	s11 =	sshra.s32 s11, $0x1F  }
0x63: {  	s11 =	smul.u32 $0x68DB8BAD, s11;
	_ =	sdelay $0x1  }
0x64: {  	[smem:$0x760] =	sst s11;
	s11 =	spop (v2sf)  }
0x65: {  	(v2sf) =	vpush v4, $0x9;
	[smem:$0x75F] =	sst s12;
	s12 =	smulhi.u32 $0x68DB8BAD, s11;
	s11 =	sshra.s32 s11, $0x1F  }
0x66: {  	s11 =	smul.u32 $0x68DB8BAD, s11;
	_ =	sdelay $0x1  }
0x67: {  	[smem:$0x762] =	sst s11;
	s11 =	spop (v2sf)  }
0x68: {  	(v2sf) =	vpush v4, $0x8;
	[smem:$0x761] =	sst s12;
	s12 =	smulhi.u32 $0x68DB8BAD, s11;
	s11 =	sshra.s32 s11, $0x1F  }
0x69: {  	s11 =	smul.u32 $0x68DB8BAD, s11;
	_ =	sdelay $0x1  }
0x6a: {  	[smem:$0x764] =	sst s11;
	s11 =	spop (v2sf)  }
0x6b: {  	(v2sf) =	vpush v4, $0xA;
	[smem:$0x763] =	sst s12;
	s12 =	smulhi.u32 $0x68DB8BAD, s11;
	s11 =	sshra.s32 s11, $0x1F  }
0x6c: {  	s11 =	smul.u32 $0x68DB8BAD, s11;
	_ =	sdelay $0x1  }
0x6d: {  	[smem:$0x766] =	sst s11;
	s11 =	spop (v2sf)  }
0x6e: {  	(v2sf) =	vpush v4, $0xB;
	[smem:$0x765] =	sst s12;
	s12 =	smulhi.u32 $0x68DB8BAD, s11;
	s11 =	sshra.s32 s11, $0x1F  }
0x6f: {  	s11 =	smul.u32 $0x68DB8BAD, s11;
	_ =	sdelay $0x1  }
0x70: {  	[smem:$0x768] =	sst s11;
	s11 =	spop (v2sf)  }
0x71: {  	(v2sf) =	vpush v4, $0x0;
	[smem:$0x767] =	sst s12;
	s12 =	smulhi.u32 $0x68DB8BAD, s11;
	s11 =	sshra.s32 s11, $0x1F  }
0x72: {  	s11 =	smul.u32 $0x68DB8BAD, s11;
	_ =	sdelay $0x1  }
0x73: {  	[smem:$0x76A] =	sst s11;
	s11 =	spop (v2sf)  }
0x74: {  	(v2sf) =	vpush v4, $0x1;
	[smem:$0x769] =	sst s12;
	s12 =	smulhi.u32 $0x68DB8BAD, s11;
	s11 =	sshra.s32 s11, $0x1F  }
0x75: {  	s11 =	smul.u32 $0x68DB8BAD, s11;
	_ =	sdelay $0x1  }
0x76: {  	[smem:$0x76C] =	sst s11;
	s11 =	spop (v2sf)  }
0x77: {  	(v2sf) =	vpush v4, $0x2;
	[smem:$0x76B] =	sst s12;
	s12 =	smulhi.u32 $0x68DB8BAD, s11;
	s11 =	sshra.s32 s11, $0x1F  }
0x78: {  	s11 =	smul.u32 $0x68DB8BAD, s11;
	_ =	sdelay $0x1  }
0x79: {  	[smem:$0x76E] =	sst s11;
	s11 =	spop (v2sf)  }
0x7a: {  	(v2sf) =	vpush v4, $0x3;
	[smem:$0x76D] =	sst s12;
	s12 =	smulhi.u32 $0x68DB8BAD, s11;
	s11 =	sshra.s32 s11, $0x1F  }
0x7b: {  	s11 =	smul.u32 $0x68DB8BAD, s11;
	_ =	sdelay $0x1  }
0x7c: {  	[smem:$0x770] =	sst s11;
	s11 =	spop (v2sf)  }
0x7d: {  	(v2sf) =	vpush v4, $0x4;
	[smem:$0x76F] =	sst s12;
	s12 =	smulhi.u32 $0x68DB8BAD, s11;
	s11 =	sshra.s32 s11, $0x1F  }
0x7e: {  	s11 =	smul.u32 $0x68DB8BAD, s11;
	_ =	sdelay $0x1  }
0x7f: {  	[smem:$0x772] =	sst s11;
	s11 =	spop (v2sf)  }
0x80: {  	(v2sf) =	vpush v4, $0x5;
	[smem:$0x771] =	sst s12;
	s12 =	smulhi.u32 $0x68DB8BAD, s11;
	s11 =	sshra.s32 s11, $0x1F  }
0x81: {  	s11 =	smul.u32 $0x68DB8BAD, s11;
	_ =	sdelay $0x1  }
0x82: {  	[smem:$0x774] =	sst s11;
	s11 =	spop (v2sf)  }
0x83: {  	(v2sf) =	vpush v4, $0x6;
	[smem:$0x773] =	sst s12;
	s12 =	smulhi.u32 $0x68DB8BAD, s11;
	s11 =	sshra.s32 s11, $0x1F  }
0x84: {  	s11 =	smul.u32 $0x68DB8BAD, s11;
	_ =	sdelay $0x1  }
0x85: {  	v6 =	vld [tilespmem:$0x30];
	[smem:$0x776] =	sst s11;
	s11 =	spop (v2sf)  }
0x86: {  	(v2sf) =	vpush v4, $0x7;
	[smem:$0x775] =	sst s12;
	s12 =	smulhi.u32 $0x68DB8BAD, s11;
	s11 =	sshra.s32 s11, $0x1F  }
0x87: {  	s11 =	smul.u32 $0x68DB8BAD, s11;
	_ =	sdelay $0x1  }
0x88: {  	[smem:$0x778] =	sst s11;
	s11 =	spop (v2sf)  }
0x89: {  	(v2sf) =	vpush v6, $0xD;
	[smem:$0x777] =	sst s12;
	s12 =	smulhi.u32 $0x68DB8BAD, s11;
	s11 =	sshra.s32 s11, $0x1F  }
0x8a: {  	s11 =	smul.u32 $0x68DB8BAD, s11;
	_ =	sdelay $0x1  }
0x8b: {  	[smem:$0x77A] =	sst s11;
	s11 =	spop (v2sf)  }
0x8c: {  	(v2sf) =	vpush v6, $0xC;
	[smem:$0x779] =	sst s12;
	s12 =	smulhi.u32 $0x68DB8BAD, s11;
	s11 =	sshra.s32 s11, $0x1F  }
0x8d: {  	s11 =	smul.u32 $0x68DB8BAD, s11;
	_ =	sdelay $0x1  }
0x8e: {  	[smem:$0x77C] =	sst s11;
	s11 =	spop (v2sf)  }
0x8f: {  	(v2sf) =	vpush v6, $0xE;
	[smem:$0x77B] =	sst s12;
	s12 =	smulhi.u32 $0x68DB8BAD, s11;
	s11 =	sshra.s32 s11, $0x1F  }
0x90: {  	s11 =	smul.u32 $0x68DB8BAD, s11;
	_ =	sdelay $0x1  }
0x91: {  	[smem:$0x77E] =	sst s11;
	s11 =	spop (v2sf)  }
0x92: {  	(v2sf) =	vpush v6, $0xF;
	[smem:$0x77D] =	sst s12;
	s12 =	smulhi.u32 $0x68DB8BAD, s11;
	s11 =	sshra.s32 s11, $0x1F  }
0x93: {  	s11 =	smul.u32 $0x68DB8BAD, s11;
	_ =	sdelay $0x1  }
0x94: {  	[smem:$0x780] =	sst s11;
	s11 =	spop (v2sf)  }
0x95: {  	(v2sf) =	vpush v6, $0x9;
	[smem:$0x77F] =	sst s12;
	s12 =	smulhi.u32 $0x68DB8BAD, s11;
	s11 =	sshra.s32 s11, $0x1F  }
0x96: {  	s11 =	smul.u32 $0x68DB8BAD, s11;
	_ =	sdelay $0x1  }
0x97: {  	[smem:$0x782] =	sst s11;
	s11 =	spop (v2sf)  }
0x98: {  	(v2sf) =	vpush v6, $0x8;
	[smem:$0x781] =	sst s12;
	s12 =	smulhi.u32 $0x68DB8BAD, s11;
	s11 =	sshra.s32 s11, $0x1F  }
0x99: {  	s11 =	smul.u32 $0x68DB8BAD, s11;
	_ =	sdelay $0x1  }
0x9a: {  	[smem:$0x784] =	sst s11;
	s11 =	spop (v2sf)  }
0x9b: {  	(v2sf) =	vpush v6, $0xA;
	[smem:$0x783] =	sst s12;
	s12 =	smulhi.u32 $0x68DB8BAD, s11;
	s11 =	sshra.s32 s11, $0x1F  }
0x9c: {  	s11 =	smul.u32 $0x68DB8BAD, s11;
	_ =	sdelay $0x1  }
0x9d: {  	[smem:$0x786] =	sst s11;
	s11 =	spop (v2sf)  }
0x9e: {  	(v2sf) =	vpush v6, $0xB;
	[smem:$0x785] =	sst s12;
	s12 =	smulhi.u32 $0x68DB8BAD, s11;
	s11 =	sshra.s32 s11, $0x1F  }
0x9f: {  	s11 =	smul.u32 $0x68DB8BAD, s11;
	_ =	sdelay $0x1  }
0xa0: {  	[smem:$0x788] =	sst s11;
	s11 =	spop (v2sf)  }
0xa1: {  	(v2sf) =	vpush v6, $0x0;
	[smem:$0x787] =	sst s12;
	s12 =	smulhi.u32 $0x68DB8BAD, s11;
	s11 =	sshra.s32 s11, $0x1F  }
0xa2: {  	s11 =	smul.u32 $0x68DB8BAD, s11;
	_ =	sdelay $0x1  }
0xa3: {  	[smem:$0x78A] =	sst s11;
	s11 =	spop (v2sf)  }
0xa4: {  	[smem:$0x789] =	sst s12;
	s12 =	smulhi.u32 $0x68DB8BAD, s11;
	s11 =	sshra.s32 s11, $0x1F  }
0xa5: {  	s11 =	smul.u32 $0x68DB8BAD, s11;
	_ =	sdelay $0x1  }
0xa6: {  	[smem:$0x78C] =	sst s11;
	s11 =	spop (v2sf)  }
0xa7: {  	[smem:$0x78B] =	sst s12;
	s12 =	smulhi.u32 $0x68DB8BAD, s11;
	s11 =	sshra.s32 s11, $0x1F  }
0xa8: {  	(v2sf) =	vpush v6, $0x1;
	s11 =	smul.u32 $0x68DB8BAD, s11;
	_ =	sdelay $0x1  }
0xa9: {  	[smem:$0x78E] =	sst s11;
	s11 =	spop (v2sf)  }
0xaa: {  	[smem:$0x78D] =	sst s12;
	s12 =	smulhi.u32 $0x68DB8BAD, s11;
	s11 =	sshra.s32 s11, $0x1F  }
0xab: {  	s11 =	smul.u32 $0x68DB8BAD, s11;
	_ =	sdelay $0x1  }
0xac: {  	[smem:$0x790] =	sst s11;
	s11 =	spop (v2sf)  }
0xad: {  	[smem:$0x78F] =	sst s12;
	s12 =	smulhi.u32 $0x68DB8BAD, s11  }
0xae: {  	(v2sf) =	vpush v6, $0x2  }
0xaf: {  	v5 =	vld [tilespmem:$0x40];
	(v2sf) =	vpush v6, $0x3;
	[smem:$0x791] =	sst s12  }
0xb0: {  	(v2sf) =	vpush v6, $0x4;
	s12 =	sld [smem:$0x73E]  }
0xb1: {  	(v2sf) =	vpush v6, $0x5  }
0xb2: {  	(v2sf) =	vpush v6, $0x6  }
0xb3: {  	(v2sf) =	vpush v6, $0x7;
	s11 =	sshra.s32 s11, $0x1F;
	s12 =	sadd.s32 s14, s12  }
0xb4: {  	s13 =	sadd.s32 s16, s13;
	(v2sf) =	vpush v5, $0xD;
	s14 =	smul.u32 $0x68DB8BAD, s11;
	[smem:$0x7B8] =	sst s12  }
0xb5: {  	s16 =	sadd.s32 s18, s15;
	s11 =	spop (v2sf);
	[smem:$0x7B6] =	sst s13  }
0xb6: {  	s18 =	sadd.s32 s20, s17;
	[smem:$0x7B9] =	sst s16  }
0xb7: {  	s19 =	sadd.s32 s22, s19;
	[smem:$0x7BB] =	sst s18  }
0xb8: {  	s22 =	sadd.s32 s24, s21;
	[smem:$0x7BE] =	sst s19  }
0xb9: {  	s23 =	sadd.s32 s26, s23;
	[smem:$0x7BC] =	sst s22  }
0xba: {  	s26 =	sadd.s32 s29, s25;
	[smem:$0x7BF] =	sst s23  }
0xbb: {  	s10 =	sadd.s32 s10, s28;
	[smem:$0x7C1] =	sst s26  }
0xbc: {  	s1 =	sadd.s32 s1, s30;
	[smem:$0x7B7] =	sst s10  }
0xbd: {  	s3 =	sadd.s32 s3, s31;
	[smem:$0x7BA] =	sst s1  }
0xbe: {  	[smem:$0x7BD] =	sst s3  }
0xbf: {  	s22 =	sld [smem:$0x740]  }
0xc0: {  	s13 =	smulhi.u32 $0x68DB8BAD, s11;
	s11 =	sshra.s32 s11, $0x1F;
	s25 =	sld [smem:$0x742]  }
0xc1: {  	s16 =	smul.u32 $0x68DB8BAD, s11;
	s11 =	spop (v2sf)  }
0xc2: {  	s28 =	sld [smem:$0x743];
	s15 =	smulhi.u32 $0x68DB8BAD, s11;
	s11 =	sshra.s32 s11, $0x1F  }
0xc3: {  	s20 =	spop (v2sf);
	s18 =	smul.u32 $0x68DB8BAD, s11  }
0xc4: {  	s17 =	smulhi.u32 $0x68DB8BAD, s20;
	s11 =	sshra.s32 s20, $0x1F;
	s24 =	spop (v2sf)  }
0xc5: {  	s20 =	sld [smem:$0x73F];
	s2 =	sadd.s32 s2, s25;
	s19 =	smul.u32 $0x68DB8BAD, s11  }
0xc6: {  	s12 =	smulhi.u32 $0x68DB8BAD, s24;
	s11 =	sshra.s32 s24, $0x1F;
	s24 =	sld [smem:$0x741]  }
0xc7: {  	[smem:$0x7C4] =	sst s2  }
0xc8: {  	s16 =	sadd.s32 s16, s13;
	s2 =	sadd.s32 s5, s28;
	s28 =	sld [smem:$0x74B]  }
0xc9: {  	s29 =	spop (v2sf);
	[smem:$0x7EB] =	sst s16  }
0xca: {  	s21 =	smulhi.u32 $0x68DB8BAD, s29;
	[smem:$0x7B5] =	sst s2  }
0xcb: {  	s30 =	sshra.s32 s29, $0x1F;
	s31 =	spop (v2sf);
	s29 =	sld [smem:$0x744]  }
0xcc: {  	s10 =	smul.u32 $0x68DB8BAD, s30;
	s30 =	sld [smem:$0x745]  }
0xcd: {  	s18 =	sadd.s32 s18, s15;
	s3 =	sadd.s32 s4, s20;
	s20 =	sld [smem:$0x747]  }
0xce: {  	s1 =	sshra.s32 s31, $0x1F;
	[smem:$0x7ED] =	sst s18  }
0xcf: {  	(v2sf) =	vpush v5, $0xC;
	s23 =	spop (v2sf);
	[smem:$0x7C0] =	sst s3;
	s3 =	sadd.s32 s7, s22  }
0xd0: {  	s7 =	smul.u32 $0x68DB8BAD, s1;
	s1 =	sshra.s32 s23, $0x1F;
	[smem:$0x7C2] =	sst s3  }
0xd1: {  	(v2sf) =	vpush v5, $0xE;
	s3 =	sadd.s32 s6, s24;
	s6 =	smulhi.u32 $0x68DB8BAD, s23;
	s23 =	sld [smem:$0x748]  }
0xd2: {  	s24 =	sld [smem:$0x749]  }
0xd3: {  	[smem:$0x7C3] =	sst s3  }
0xd4: {  	s1 =	smul.u32 $0x68DB8BAD, s1;
	s3 =	sld [smem:$0x746]  }
0xd5: {  	s26 =	spop (v2sf);
	s2 =	sadd.s32 s30, s29;
	s30 =	sld [smem:$0x74C]  }
0xd6: {  	[smem:$0x792] =	sst s1;
	s1 =	sshra.s32 s26, $0x1F  }
0xd7: {  	[smem:$0x7C7] =	sst s2;
	s1 =	smul.u32 $0x68DB8BAD, s1  }
0xd8: {  	s5 =	smulhi.u32 $0x68DB8BAD, s26;
	s26 =	sld [smem:$0x74A]  }
0xd9: {  	(v2sf) =	vpush v5, $0xF;
	s2 =	sadd.s32 s20, s3;
	[smem:$0x793] =	sst s1  }
0xda: {  	[smem:$0x7C8] =	sst s2  }
0xdb: {  	s2 =	sadd.s32 s24, s23;
	s23 =	sld [smem:$0x74F]  }
0xdc: {  	[smem:$0x7CA] =	sst s2  }
0xdd: {  	s4 =	smulhi.u32 $0x68DB8BAD, s31;
	s2 =	sadd.s32 s28, s26;
	s26 =	sld [smem:$0x751]  }
0xde: {  	s13 =	sld [smem:$0x793];
	s31 =	spop (v2sf)  }
0xdf: {  	[smem:$0x7CC] =	sst s2;
	s22 =	smulhi.u32 $0x68DB8BAD, s31  }
0xe0: {  	s1 =	sshra.s32 s31, $0x1F;
	s25 =	spop (v2sf);
	s31 =	sld [smem:$0x74D]  }
0xe1: {  	s1 =	smul.u32 $0x68DB8BAD, s1;
	[smem:$0x794] =	sst s22  }
0xe2: {  	s29 =	smulhi.u32 $0x68DB8BAD, s25;
	s22 =	sld [smem:$0x74E]  }
0xe3: {  	[smem:$0x795] =	sst s1  }
0xe4: {  	[smem:$0x796] =	sst s29  }
0xe5: {  	s1 =	sshra.s32 s25, $0x1F;
	s25 =	sld [smem:$0x750]  }
0xe6: {  	s29 =	sld [smem:$0x752]  }
0xe7: {  	s2 =	sadd.s32 s31, s30;
	s30 =	sld [smem:$0x753]  }
0xe8: {  	(v2sf) =	vpush v5, $0x9;
	s20 =	spop (v2sf);
	s31 =	sld [smem:$0x754]  }
0xe9: {  	s24 =	smulhi.u32 $0x68DB8BAD, s20;
	s15 =	sld [smem:$0x794]  }
0xea: {  	(v2sf) =	vpush v5, $0x8;
	[smem:$0x7CF] =	sst s2  }
0xeb: {  	(v2sf) =	vpush v5, $0xA;
	[smem:$0x798] =	sst s24  }
0xec: {  	s1 =	smul.u32 $0x68DB8BAD, s1;
	s2 =	sadd.s32 s23, s22;
	s22 =	sld [smem:$0x755]  }
0xed: {  	s23 =	sld [smem:$0x756]  }
0xee: {  	[smem:$0x797] =	sst s1  }
0xef: {  	[smem:$0x7CD] =	sst s2  }
0xf0: {  	s2 =	sadd.s32 s26, s25;
	s26 =	sld [smem:$0x757]  }
0xf1: {  	[smem:$0x7D1] =	sst s2  }
0xf2: {  	s2 =	sadd.s32 s30, s29;
	s30 =	sld [smem:$0x759]  }
0xf3: {  	s0 =	smul.u32 $0x68DB8BAD, s0;
	s1 =	sshra.s32 s20, $0x1F;
	[smem:$0x7D3] =	sst s2  }
0xf4: {  	s1 =	smul.u32 $0x68DB8BAD, s1;
	s2 =	sadd.s32 s8, s31;
	s31 =	sld [smem:$0x75A]  }
0xf5: {  	(v2sf) =	vpush v5, $0xB;
	s0 =	sadd.s32 s0, s23;
	s23 =	sld [smem:$0x75C]  }
0xf6: {  	[smem:$0x799] =	sst s1  }
0xf7: {  	s28 =	spop (v2sf);
	[smem:$0x7C6] =	sst s2  }
0xf8: {  	(v2sf) =	vpush v5, $0x0;
	s3 =	smulhi.u32 $0x68DB8BAD, s28;
	[smem:$0x7CB] =	sst s0  }
0xf9: {  	s20 =	spop (v2sf);
	s1 =	sshra.s32 s28, $0x1F;
	s28 =	sld [smem:$0x758]  }
0xfa: {  	s25 =	spop (v2sf);
	s2 =	sadd.s32 s9, s22;
	s22 =	sld [smem:$0x75B]  }
0xfb: {  	s29 =	smulhi.u32 $0x68DB8BAD, s25;
	s0 =	sshra.s32 s25, $0x1F;
	s25 =	sld [smem:$0x75D]  }
0xfc: {  	[smem:$0x7C9] =	sst s2  }
0xfd: {  	[smem:$0x79B] =	sst s29  }
0xfe: {  	s0 =	smul.u32 $0x68DB8BAD, s0;
	s29 =	sld [smem:$0x75F]  }
0xff: {  	s8 =	smul.u32 $0x68DB8BAD, s1;
	s1 =	sshra.s32 s20, $0x1F;
	s2 =	sld [smem:$0x761]  }
0x100: {  	s24 =	smul.u32 $0x68DB8BAD, s1;
	[smem:$0x79C] =	sst s0  }
0x101: {  	(v2sf) =	vpush v5, $0x1;
	s1 =	sadd.s32 s28, s26;
	s26 =	sld [smem:$0x75E]  }
0x102: {  	[smem:$0x79A] =	sst s24  }
0x103: {  	s9 =	smulhi.u32 $0x68DB8BAD, s20;
	[smem:$0x7CE] =	sst s1  }
0x104: {  	s20 =	spop (v2sf);
	s1 =	sadd.s32 s31, s30;
	s30 =	sld [smem:$0x760]  }
0x105: {  	s0 =	sshra.s32 s20, $0x1F;
	s24 =	smulhi.u32 $0x68DB8BAD, s20;
	s20 =	sld [smem:$0x762]  }
0x106: {  	[smem:$0x7D0] =	sst s1  }
0x107: {  	s28 =	spop (v2sf);
	s1 =	sadd.s32 s23, s22;
	s23 =	sld [smem:$0x763]  }
0x108: {  	s0 =	smul.u32 $0x68DB8BAD, s0;
	[smem:$0x7D2] =	sst s1  }
0x109: {  	(v2sf) =	vpush v5, $0x2;
	s31 =	smulhi.u32 $0x68DB8BAD, s28;
	[smem:$0x79D] =	sst s24  }
0x10a: {  	[smem:$0x79E] =	sst s0  }
0x10b: {  	[smem:$0x79F] =	sst s31  }
0x10c: {  	s24 =	sld [smem:$0x764]  }
0x10d: {  	s1 =	sadd.s32 s26, s25;
	s26 =	sld [smem:$0x765]  }
0x10e: {  	s0 =	sshra.s32 s28, $0x1F;
	s28 =	sld [smem:$0x766]  }
0x10f: {  	s31 =	sld [smem:$0x768]  }
0x110: {  	(v2sf) =	vpush v5, $0x3;
	s22 =	spop (v2sf);
	[smem:$0x7D4] =	sst s1  }
0x111: {  	s25 =	smulhi.u32 $0x68DB8BAD, s22;
	s1 =	sadd.s32 s30, s29;
	s30 =	sld [smem:$0x767]  }
0x112: {  	[smem:$0x7C5] =	sst s1  }
0x113: {  	[smem:$0x7A1] =	sst s25  }
0x114: {  	s25 =	sld [smem:$0x76B]  }
0x115: {  	s0 =	smul.u32 $0x68DB8BAD, s0;
	s1 =	sadd.s32 s20, s2;
	s2 =	sld [smem:$0x76F]  }
0x116: {  	[smem:$0x7D5] =	sst s1  }
0x117: {  	(v2sf) =	vpush v5, $0x4;
	[smem:$0x7A0] =	sst s0  }
0x118: {  	s29 =	spop (v2sf);
	s0 =	sshra.s32 s22, $0x1F;
	s22 =	sld [smem:$0x769]  }
0x119: {  	s20 =	smulhi.u32 $0x68DB8BAD, s29;
	s1 =	sadd.s32 s24, s23;
	s23 =	sld [smem:$0x76A]  }
0x11a: {  	[smem:$0x7D6] =	sst s1  }
0x11b: {  	[smem:$0x7A3] =	sst s20  }
0x11c: {  	s1 =	sadd.s32 s28, s26;
	s26 =	sld [smem:$0x76C]  }
0x11d: {  	s20 =	sld [smem:$0x770]  }
0x11e: {  	s0 =	smul.u32 $0x68DB8BAD, s0;
	[smem:$0x7D9] =	sst s1  }
0x11f: {  	(v2sf) =	vpush v5, $0x5;
	s24 =	spop (v2sf);
	s1 =	sadd.s32 s31, s30;
	s30 =	sld [smem:$0x76E]  }
0x120: {  	s28 =	smulhi.u32 $0x68DB8BAD, s24;
	[smem:$0x7A2] =	sst s0  }
0x121: {  	[smem:$0x7DA] =	sst s1  }
0x122: {  	[smem:$0x7A5] =	sst s28  }
0x123: {  	s0 =	sshra.s32 s29, $0x1F;
	s29 =	sld [smem:$0x76D]  }
0x124: {  	s1 =	sadd.s32 s23, s22;
	s23 =	sld [smem:$0x771]  }
0x125: {  	s28 =	sld [smem:$0x774]  }
0x126: {  	s31 =	spop (v2sf);
	[smem:$0x7DF] =	sst s1  }
0x127: {  	(v2sf) =	vpush v5, $0x6;
	s22 =	smulhi.u32 $0x68DB8BAD, s31;
	s1 =	sadd.s32 s26, s25;
	s26 =	sld [smem:$0x773]  }
0x128: {  	[smem:$0x7DD] =	sst s1  }
0x129: {  	s0 =	smul.u32 $0x68DB8BAD, s0;
	[smem:$0x7A7] =	sst s22  }
0x12a: {  	s22 =	sld [smem:$0x777]  }
0x12b: {  	[smem:$0x7A4] =	sst s0  }
0x12c: {  	s0 =	sshra.s32 s24, $0x1F;
	s24 =	sld [smem:$0x772]  }
0x12d: {  	s1 =	sadd.s32 s30, s29;
	s30 =	sld [smem:$0x775]  }
0x12e: {  	s25 =	spop (v2sf);
	[smem:$0x7E1] =	sst s1  }
0x12f: {  	(v2sf) =	vpush v5, $0x7;
	s29 =	smulhi.u32 $0x68DB8BAD, s25;
	s1 =	sadd.s32 s20, s2;
	s2 =	sld [smem:$0x77D]  }
0x130: {  	[smem:$0x7E3] =	sst s1  }
0x131: {  	s0 =	smul.u32 $0x68DB8BAD, s0;
	[smem:$0x7A9] =	sst s29  }
0x132: {  	v7 =	vld [tilespmem:$0x50];
	s29 =	sld [smem:$0x77B]  }
0x133: {  	[smem:$0x7A6] =	sst s0  }
0x134: {  	s0 =	sshra.s32 s31, $0x1F;
	s31 =	sld [smem:$0x776]  }
0x135: {  	s1 =	sadd.s32 s24, s23;
	s23 =	sld [smem:$0x778]  }
0x136: {  	s20 =	spop (v2sf);
	[smem:$0x7D8] =	sst s1  }
0x137: {  	(v2sf) =	vpush v7, $0xD;
	s24 =	smulhi.u32 $0x68DB8BAD, s20;
	s1 =	sadd.s32 s28, s26;
	s26 =	sld [smem:$0x77A]  }
0x138: {  	[smem:$0x7DB] =	sst s1  }
0x139: {  	s0 =	smul.u32 $0x68DB8BAD, s0;
	[smem:$0x7AB] =	sst s24  }
0x13a: {  	s24 =	sld [smem:$0x780]  }
0x13b: {  	[smem:$0x7A8] =	sst s0  }
0x13c: {  	s0 =	sshra.s32 s25, $0x1F;
	s25 =	sld [smem:$0x779]  }
0x13d: {  	s1 =	sadd.s32 s31, s30;
	s30 =	sld [smem:$0x77C]  }
0x13e: {  	s28 =	spop (v2sf);
	[smem:$0x7DC] =	sst s1  }
0x13f: {  	(v2sf) =	vpush v7, $0xC;
	s31 =	smulhi.u32 $0x68DB8BAD, s28;
	s1 =	sadd.s32 s23, s22;
	s23 =	sld [smem:$0x77F]  }
0x140: {  	[smem:$0x7DE] =	sst s1  }
0x141: {  	s0 =	smul.u32 $0x68DB8BAD, s0;
	[smem:$0x7AD] =	sst s31  }
0x142: {  	s31 =	sld [smem:$0x784]  }
0x143: {  	[smem:$0x7AA] =	sst s0  }
0x144: {  	s0 =	sshra.s32 s20, $0x1F;
	s20 =	sld [smem:$0x77E]  }
0x145: {  	s1 =	sadd.s32 s26, s25;
	s26 =	sld [smem:$0x781]  }
0x146: {  	s22 =	spop (v2sf);
	[smem:$0x7E0] =	sst s1  }
0x147: {  	(v2sf) =	vpush v7, $0xE;
	s25 =	smulhi.u32 $0x68DB8BAD, s22;
	s1 =	sadd.s32 s30, s29;
	s30 =	sld [smem:$0x783]  }
0x148: {  	[smem:$0x7E2] =	sst s1  }
0x149: {  	s0 =	smul.u32 $0x68DB8BAD, s0;
	[smem:$0x7AF] =	sst s25  }
0x14a: {  	s25 =	sld [smem:$0x788]  }
0x14b: {  	[smem:$0x7AC] =	sst s0  }
0x14c: {  	s0 =	sshra.s32 s28, $0x1F;
	s28 =	sld [smem:$0x782]  }
0x14d: {  	(v2sf) =	vpush v7, $0xF;
	s1 =	sadd.s32 s20, s2;
	s20 =	sld [smem:$0x785]  }
0x14e: {  	s29 =	spop (v2sf);
	[smem:$0x7E4] =	sst s1  }
0x14f: {  	s2 =	smulhi.u32 $0x68DB8BAD, s29;
	s1 =	sadd.s32 s24, s23;
	s24 =	sld [smem:$0x787]  }
0x150: {  	[smem:$0x7D7] =	sst s1  }
0x151: {  	s0 =	smul.u32 $0x68DB8BAD, s0;
	[smem:$0x7B1] =	sst s2  }
0x152: {  	s2 =	sld [smem:$0x78B]  }
0x153: {  	[smem:$0x7AE] =	sst s0  }
0x154: {  	s0 =	sshra.s32 s22, $0x1F;
	s22 =	sld [smem:$0x786]  }
0x155: {  	s1 =	sadd.s32 s28, s26;
	s28 =	sld [smem:$0x789]  }
0x156: {  	s23 =	spop (v2sf);
	[smem:$0x7E5] =	sst s1  }
0x157: {  	s26 =	smulhi.u32 $0x68DB8BAD, s23;
	s1 =	sadd.s32 s31, s30;
	s30 =	sld [smem:$0x78A]  }
0x158: {  	s0 =	smul.u32 $0x68DB8BAD, s0;
	[smem:$0x7E7] =	sst s1  }
0x159: {  	[smem:$0x7B2] =	sst s26  }
0x15a: {  	[smem:$0x7B0] =	sst s0  }
0x15b: {  	s1 =	sadd.s32 s22, s20;
	s20 =	sld [smem:$0x78C]  }
0x15c: {  	(v2sf) =	vpush v7, $0x9;
	s31 =	spop (v2sf);
	s0 =	sshra.s32 s29, $0x1F;
	[smem:$0x7E9] =	sst s1  }
0x15d: {  	s29 =	smul.u32 $0x68DB8BAD, s0;
	s0 =	sshra.s32 s23, $0x1F;
	s23 =	sld [smem:$0x78D]  }
0x15e: {  	s22 =	smulhi.u32 $0x68DB8BAD, s31;
	s1 =	sadd.s32 s25, s24;
	s24 =	sld [smem:$0x78E]  }
0x15f: {  	[smem:$0x7EA] =	sst s1  }
0x160: {  	[smem:$0x7B4] =	sst s22  }
0x161: {  	s1 =	sadd.s32 s30, s28;
	s30 =	sld [smem:$0x78F]  }
0x162: {  	(v2sf) =	vpush v7, $0x8;
	s0 =	smul.u32 $0x68DB8BAD, s0;
	[smem:$0x7EC] =	sst s1  }
0x163: {  	s1 =	sadd.s32 s20, s2;
	s2 =	sld [smem:$0x791]  }
0x164: {  	(v2sf) =	vpush v7, $0xA;
	[smem:$0x7B3] =	sst s0  }
0x165: {  	[smem:$0x7EE] =	sst s1  }
0x166: {  	s0 =	sshra.s32 s31, $0x1F;
	s31 =	sld [smem:$0x790]  }
0x167: {  	(v2sf) =	vpush v7, $0xB;
	s1 =	sadd.s32 s24, s23;
	s23 =	sadd.s32 s19, s17;
	s17 =	sld [smem:$0x795]  }
0x168: {  	s11 =	smul.u32 $0x68DB8BAD, s11;
	[smem:$0x7F0] =	sst s1  }
0x169: {  	(v2sf) =	vpush v7, $0x0;
	[smem:$0x7EF] =	sst s23  }
0x16a: {  	s1 =	sadd.s32 s31, s30;
	s30 =	sadd.s32 s11, s12;
	s12 =	sld [smem:$0x792]  }
0x16b: {  	s25 =	spop (v2sf);
	[dreg:$0x1e] =	wrdreg s1  }
0x16c: {  	(v2sf) =	vpush v7, $0x1;
	s28 =	smulhi.u32 $0x68DB8BAD, s25;
	[smem:$0x7F1] =	sst s30  }
0x16d: {  	s1 =	sadd.s32 s14, s2;
	s2 =	sadd.s32 s10, s21;
	s30 =	sld [smem:$0x796]  }
0x16e: {  	s10 =	sadd.s32 s7, s4;
	s7 =	sadd.s32 s8, s3;
	s3 =	sld [smem:$0x79D]  }
0x16f: {  	(v2sf) =	vpush v7, $0x2;
	s26 =	smul.u32 $0x68DB8BAD, s0;
	s0 =	sshra.s32 s25, $0x1F;
	[smem:$0x7E8] =	sst s1  }
0x170: {  	s24 =	smul.u32 $0x68DB8BAD, s0;
	[smem:$0x7F2] =	sst s2  }
0x171: {  	s14 =	spop (v2sf);
	[smem:$0x7F3] =	sst s10  }
0x172: {  	s25 =	smulhi.u32 $0x68DB8BAD, s14;
	[dreg:$0x19] =	wrdreg s7  }
0x173: {  	(v2sf) =	vpush v7, $0x3;
	s0 =	sshra.s32 s14, $0x1F;
	s20 =	spop (v2sf);
	s10 =	sld [smem:$0x79A]  }
0x174: {  	s24 =	sadd.s32 s24, s28;
	s2 =	sld [smem:$0x7A3];
	s22 =	smul.u32 $0x68DB8BAD, s0  }
0x175: {  	[dreg:$0x10] =	wrdreg s24;
	s23 =	smulhi.u32 $0x68DB8BAD, s20;
	s0 =	sshra.s32 s20, $0x1F  }
0x176: {  	s31 =	spop (v2sf);
	s20 =	smul.u32 $0x68DB8BAD, s0  }
0x177: {  	(v2sf) =	vpush v7, $0x4;
	s1 =	sadd.s32 s12, s6;
	s6 =	sld [smem:$0x799];
	s21 =	smulhi.u32 $0x68DB8BAD, s31  }
0x178: {  	s0 =	sshra.s32 s31, $0x1F;
	s11 =	spop (v2sf);
	[smem:$0x7E6] =	sst s1  }
0x179: {  	s31 =	sld [smem:$0x797];
	s18 =	smul.u32 $0x68DB8BAD, s0  }
0x17a: {  	s1 =	sadd.s32 s13, s5;
	s5 =	sld [smem:$0x798];
	s19 =	smulhi.u32 $0x68DB8BAD, s11  }
0x17b: {  	s0 =	sshra.s32 s11, $0x1F;
	[dreg:$0x1f] =	wrdreg s1;
	s14 =	spop (v2sf)  }
0x17c: {  	s1 =	sadd.s32 s17, s15;
	s11 =	sld [smem:$0x79B];
	s16 =	smul.u32 $0x68DB8BAD, s0  }
0x17d: {  	s22 =	sadd.s32 s22, s25;
	[smem:$0x7F6] =	sst s1;
	s17 =	smulhi.u32 $0x68DB8BAD, s14  }
0x17e: {  	s0 =	sshra.s32 s14, $0x1F;
	s4 =	spop (v2sf);
	[dreg:$0xd] =	wrdreg s22  }
0x17f: {  	s1 =	sadd.s32 s31, s30;
	s14 =	smul.u32 $0x68DB8BAD, s0;
	s30 =	sld [smem:$0x79C]  }
0x180: {  	(v2sf) =	vpush v7, $0x5;
	s15 =	smulhi.u32 $0x68DB8BAD, s4;
	s0 =	sshra.s32 s4, $0x1F;
	s4 =	sld [smem:$0x79E]  }
0x181: {  	[dreg:$0x1d] =	wrdreg s1  }
0x182: {  	s8 =	spop (v2sf);
	s1 =	sadd.s32 s6, s5;
	s5 =	sld [smem:$0x79F]  }
0x183: {  	s12 =	smul.u32 $0x68DB8BAD, s0;
	s6 =	sld [smem:$0x7A0]  }
0x184: {  	(v2sf) =	vpush v7, $0x6;
	s0 =	sshra.s32 s8, $0x1F;
	[dreg:$0x1b] =	wrdreg s1;
	s1 =	sadd.s32 s10, s9  }
0x185: {  	(v2sf) =	vpush v7, $0x7;
	s10 =	smul.u32 $0x68DB8BAD, s0;
	[dreg:$0x1c] =	wrdreg s1  }
0x186: {  	s31 =	spop (v2sf);
	s1 =	sadd.s32 s30, s11;
	s30 =	sld [smem:$0x7A1]  }
0x187: {  	s11 =	smulhi.u32 $0x68DB8BAD, s31;
	s0 =	sshra.s32 s31, $0x1F;
	s31 =	sld [smem:$0x7A2]  }
0x188: {  	[dreg:$0x1a] =	wrdreg s1  }
0x189: {  	s1 =	sadd.s32 s4, s3;
	s3 =	sld [smem:$0x7A4]  }
0x18a: {  	[dreg:$0x18] =	wrdreg s1  }
0x18b: {  	s1 =	sadd.s32 s6, s5;
	s5 =	sld [smem:$0x7A5]  }
0x18c: {  	[smem:$0x7F4] =	sst s1  }
0x18d: {  	s13 =	smulhi.u32 $0x68DB8BAD, s8;
	s1 =	sadd.s32 s31, s30;
	s30 =	sld [smem:$0x7A7]  }
0x18e: {  	s8 =	smul.u32 $0x68DB8BAD, s0;
	s31 =	sld [smem:$0x7A8]  }
0x18f: {  	[smem:$0x7F5] =	sst s1;
	s7 =	spop (v2sf)  }
0x190: {  	s9 =	smulhi.u32 $0x68DB8BAD, s7;
	s0 =	sshra.s32 s7, $0x1F;
	s7 =	sld [smem:$0x7A6]  }
0x191: {  	s1 =	sadd.s32 s3, s2;
	s2 =	sld [smem:$0x7AB]  }
0x192: {  	v8 =	vld [tilespmem:$0x60];
	[smem:$0x7F7] =	sst s1  }
0x193: {  	s4 =	spop (v2sf);
	s6 =	smul.u32 $0x68DB8BAD, s0;
	s1 =	sadd.s32 s7, s5  }
0x194: {  	s0 =	sshra.s32 s4, $0x1F;
	s3 =	spop (v2sf);
	[smem:$0x7F9] =	sst s1  }
0x195: {  	s7 =	smulhi.u32 $0x68DB8BAD, s4;
	s1 =	sadd.s32 s31, s30;
	s30 =	sld [smem:$0x7A9]  }
0x196: {  	s5 =	smul.u32 $0x68DB8BAD, s0;
	s31 =	sld [smem:$0x7AA]  }
0x197: {  	(v2sf) =	vpush v8, $0xD;
	s4 =	smulhi.u32 $0x68DB8BAD, s3;
	s0 =	sshra.s32 s3, $0x1F;
	s3 =	sld [smem:$0x7AC]  }
0x198: {  	[smem:$0x7FA] =	sst s1  }
0x199: {  	s1 =	sadd.s32 s31, s30;
	s30 =	sld [smem:$0x7AD]  }
0x19a: {  	(v2sf) =	vpush v8, $0xC;
	s31 =	sld [smem:$0x7AE]  }
0x19b: {  	[smem:$0x7FB] =	sst s1;
	s1 =	sadd.s32 s3, s2  }
0x19c: {  	[smem:$0x7FC] =	sst s1  }
0x19d: {  	(v2sf) =	vpush v8, $0xE;
	s1 =	sadd.s32 s31, s30;
	s30 =	sld [smem:$0x7B0]  }
0x19e: {  	[smem:$0x7F8] =	sst s1  }
0x19f: {  	s20 =	sadd.s32 s20, s23;
	(v2sf) =	vpush v8, $0xF;
	s1 =	sld [smem:$0x7AF]  }
0x1a0: {  	[dreg:$0xa] =	wrdreg s20;
	s16 =	sadd.s32 s16, s19  }
0x1a1: {  	(v2sf) =	vpush v8, $0x9;
	[dreg:$0x16] =	wrdreg s16  }
0x1a2: {  	s14 =	sadd.s32 s14, s17;
	s1 =	sadd.s32 s30, s1;
	s30 =	sld [smem:$0x7B1]  }
0x1a3: {  	[dreg:$0x12] =	wrdreg s14;
	s12 =	sadd.s32 s12, s15;
	(v2sf) =	vpush v8, $0x8  }
0x1a4: {  	[dreg:$0xf] =	wrdreg s12  }
0x1a5: {  	(v2sf) =	vpush v8, $0xA;
	s3 =	smul.u32 $0x68DB8BAD, s0;
	s31 =	sadd.s32 s29, s30;
	s29 =	sld [smem:$0x7B2]  }
0x1a6: {  	s10 =	sadd.s32 s10, s13;
	s0 =	spop (v2sf);
	s30 =	sld [smem:$0x7B3]  }
0x1a7: {  	[dreg:$0xe] =	wrdreg s10;
	(v2sf) =	vpush v8, $0xB;
	s2 =	smulhi.u32 $0x68DB8BAD, s0;
	s0 =	sshra.s32 s0, $0x1F  }
0x1a8: {  	s8 =	sadd.s32 s8, s11;
	[dreg:$0x14] =	wrdreg s1;
	s1 =	smul.u32 $0x68DB8BAD, s0  }
0x1a9: {  	(v2sf) =	vpush v8, $0x0;
	s0 =	spop (v2sf);
	s29 =	sadd.s32 s30, s29;
	s30 =	sld [smem:$0x7B4]  }
0x1aa: {  	(v2sf) =	vpush v8, $0x1;
	[dreg:$0x13] =	wrdreg s31;
	s31 =	smulhi.u32 $0x68DB8BAD, s0;
	s0 =	sshra.s32 s0, $0x1F  }
0x1ab: {  	[dreg:$0xc] =	wrdreg s8;
	s0 =	smul.u32 $0x68DB8BAD, s0  }
0x1ac: {  	[dreg:$0x15] =	wrdreg s29;
	s29 =	spop (v2sf);
	(v2sf) =	vpush v8, $0x2;
	s26 =	sadd.s32 s26, s30  }
0x1ad: {  	[dreg:$0x11] =	wrdreg s26;
	s26 =	smulhi.u32 $0x68DB8BAD, s29;
	s29 =	sshra.s32 s29, $0x1F  }
0x1ae: {  	s6 =	sadd.s32 s6, s9;
	s24 =	smul.u32 $0x68DB8BAD, s29;
	s29 =	spop (v2sf)  }
0x1af: {  	[dreg:$0xb] =	wrdreg s6;
	s22 =	smulhi.u32 $0x68DB8BAD, s29;
	s30 =	sshra.s32 s29, $0x1F  }
0x1b0: {  	(v2sf) =	vpush v8, $0x3;
	s25 =	spop (v2sf);
	s20 =	smul.u32 $0x68DB8BAD, s30  }
0x1b1: {  	s30 =	sadd.s32 s18, s21;
	s18 =	smulhi.u32 $0x68DB8BAD, s25;
	s28 =	sshra.s32 s25, $0x1F  }
0x1b2: {  	s5 =	sadd.s32 s5, s7;
	(v2sf) =	vpush v8, $0x4;
	s29 =	spop (v2sf);
	s16 =	smul.u32 $0x68DB8BAD, s28  }
0x1b3: {  	s7 =	sld [smem:$0x7B8];
	s14 =	smulhi.u32 $0x68DB8BAD, s29;
	s21 =	sshra.s32 s29, $0x1F  }
0x1b4: {  	s23 =	spop (v2sf);
	s12 =	smul.u32 $0x68DB8BAD, s21  }
0x1b5: {  	[dreg:$0x9] =	wrdreg s5;
	s10 =	smulhi.u32 $0x68DB8BAD, s23;
	s25 =	sshra.s32 s23, $0x1F  }
0x1b6: {  	s3 =	sadd.s32 s3, s4;
	s28 =	spop (v2sf);
	s8 =	smul.u32 $0x68DB8BAD, s25  }
0x1b7: {  	[smem:$0x7FD] =	sst s3;
	s6 =	smulhi.u32 $0x68DB8BAD, s28;
	s29 =	sshra.s32 s28, $0x1F  }
0x1b8: {  	s9 =	spop (v2sf);
	s5 =	smul.u32 $0x68DB8BAD, s29  }
0x1b9: {  	s24 =	sadd.s32 s24, s26;
	s11 =	smulhi.u32 $0x68DB8BAD, s9;
	s17 =	spop (v2sf)  }
0x1ba: {  	s25 =	sadd.s32 s1, s2;
	s19 =	smulhi.u32 $0x68DB8BAD, s17;
	s2 =	sshra.s32 s17, $0x1F  }
0x1bb: {  	s22 =	sadd.s32 s20, s22;
	s2 =	smul.u32 $0x68DB8BAD, s2;
	s21 =	spop (v2sf)  }
0x1bc: {  	s28 =	sadd.s32 s0, s31;
	s23 =	smulhi.u32 $0x68DB8BAD, s21;
	s4 =	sshra.s32 s21, $0x1F  }
0x1bd: {  	s26 =	sadd.s32 s16, s18;
	s13 =	sshra.s32 s9, $0x1F;
	s4 =	smul.u32 $0x68DB8BAD, s4  }
0x1be: {  	[dreg:$0x17] =	wrdreg s26;
	s26 =	sadd.s32 s12, s14;
	s15 =	smul.u32 $0x68DB8BAD, s13  }
0x1bf: {  	s17 =	sadd.s32 s2, s19;
	s29 =	spop (v2sf);
	s19 =	sadd.s32 s4, s23  }
0x1c0: {  	s4 =	sld [smem:$0x7B6];
	s31 =	smulhi.u32 $0x68DB8BAD, s29;
	s9 =	sshra.s32 s29, $0x1F  }
0x1c1: {  	s18 =	sadd.s32 s8, s10;
	s12 =	spop (v2sf);
	s10 =	smul.u32 $0x68DB8BAD, s9  }
0x1c2: {  	s13 =	smulhi.u32 $0x68DB8BAD, s12;
	s14 =	sshra.s32 s12, $0x1F;
	s12 =	sld [smem:$0x7B5]  }
0x1c3: {  	s8 =	sshrl.u32 s7, $0x1F;
	s21 =	sadd.s32 s10, s31;
	s31 =	sld [smem:$0x7B7]  }
0x1c4: {  	s20 =	sadd.s32 s5, s6;
	s29 =	sadd.s32 s15, s11;
	s10 =	sld [smem:$0x7B9]  }
0x1c5: {  	s11 =	sld [smem:$0x7BA];
	s15 =	smul.u32 $0x68DB8BAD, s14;
	s23 =	sshrl.u32 s4, $0x1F  }
0x1c6: {  	v10 =	vmov s23;
	s16 =	sshra.s32 s12, $0x1F;
	s3 =	sshra.s32 s31, $0xC;
	s5 =	sshrl.u32 s31, $0x1F  }
0x1c7: {  	v10 =	vsel vm0, s8, v10;
	v9 =	vmov s16;
	s6 =	sshra.s32 s31, $0x1F;
	s9 =	sshrl.u32 s10, $0x1F;
	s31 =	sld [smem:$0x7BD]  }
0x1c8: {  	s0 =	sadd.s32 s15, s13;
	v9 =	vsel vm3, s3, v9;
	v10 =	vsel vm1, s9, v10;
	s9 =	sld [smem:$0x7BB]  }
0x1c9: {  	s1 =	sshra.s32 s7, $0xC;
	s13 =	sshra.s32 s11, $0xC;
	[dreg:$0x8] =	wrdreg s0;
	v9 =	vsel vm9, s6, v9  }
0x1ca: {  	s15 =	sshra.s32 s11, $0x1F;
	s0 =	sshra.s32 s10, $0xC;
	s10 =	sld [smem:$0x7C3];
	v12 =	vsel vm0, s13, v9  }
0x1cb: {  	v11 =	vmov s5;
	s5 =	sld [smem:$0x7BC];
	s7 =	sshra.s32 s31, $0xC;
	s16 =	sshrl.u32 s9, $0x1F;
	v51 =	vsel vm10, s15, v12  }
0x1cc: {  	s14 =	sshrl.u32 s11, $0x1F;
	v11 =	vnsel vm3, $0x0, v11;
	v9 =	vsel vm2, s16, v10;
	v10 =	vsel vm1, s7, v51;
	s7 =	sld [smem:$0x7BE]  }
0x1cd: {  	s6 =	sld [smem:$0x7C1];
	v11 =	vsel vm0, s14, v11;
	s8 =	sshrl.u32 s31, $0x1F  }
0x1ce: {  	s23 =	sshrl.u32 s5, $0x1F;
	v11 =	vsel vm1, s8, v11;
	s8 =	sld [smem:$0x7BF]  }
0x1cf: {  	s15 =	sld [smem:$0x7C0];
	v52 =	vmov s23;
	s13 =	sshrl.u32 s7, $0x1F  }
0x1d0: {  	s2 =	sshra.s32 s4, $0xC;
	v12 =	vsel vm0, s13, v52;
	s13 =	sld [smem:$0x7C2]  }
0x1d1: {  	v54 =	vmov s2;
	s11 =	sshra.s32 s31, $0x1F;
	s2 =	sshra.s32 s9, $0xC;
	s9 =	sld [smem:$0x7C4]  }
0x1d2: {  	v10 =	vsel vm11, s11, v10;
	s14 =	sshrl.u32 s8, $0x1F;
	s16 =	sshrl.u32 s15, $0x1F;
	s23 =	sshra.s32 s15, $0xC  }
0x1d3: {  	s31 =	sshra.s32 s15, $0x1F;
	v11 =	vsel vm2, s16, v11;
	v13 =	vsel vm2, s23, v10;
	v12 =	vsel vm1, s14, v12;
	s14 =	sshrl.u32 s13, $0x1F  }
0x1d4: {  	s11 =	sshrl.u32 s6, $0x1F;
	s15 =	sshrl.u32 s10, $0x1F;
	v53 =	vsel vm12, s31, v13;
	s31 =	sshrl.u32 s9, $0x1F;
	v11 =	vsel vm4, s14, v11  }
0x1d5: {  	v10 =	vsel vm2, s11, v12;
	s11 =	sshra.s32 s7, $0xC;
	s7 =	sshra.s32 s12, $0xC;
	s16 =	sshra.s32 s13, $0xC;
	v11 =	vsel vm5, s15, v11  }
0x1d6: {  	s23 =	sshra.s32 s13, $0x1F;
	s13 =	sshrl.u32 s12, $0x1F;
	s12 =	sld [smem:$0x7C7];
	v11 =	vsel vm6, s31, v11  }
0x1d7: {  	v11 =	vsel vm7, s13, v11;
	s13 =	sld [smem:$0x7C5]  }
0x1d8: {  	s4 =	sshra.s32 s9, $0xC;
	v12 =	vsel vm4, s16, v53;
	s16 =	sshra.s32 s8, $0xC;
	s8 =	sld [smem:$0x7C6]  }
0x1d9: {  	v13 =	vsel vm0, s1, v54;
	s14 =	sshra.s32 s10, $0xC;
	v12 =	vsel vm13, s23, v12;
	s15 =	sshra.s32 s5, $0xC;
	s23 =	sshra.s32 s10, $0x1F  }
0x1da: {  	v13 =	vsel vm1, s0, v13;
	v14 =	vsel vm5, s14, v12;
	v55 =	vmov s15;
	s31 =	sshra.s32 s6, $0xC;
	s15 =	sld [smem:$0x7C8];
	s5 =	sshra.s32 s13, $0x1F  }
0x1db: {  	v12 =	vsel vm2, s2, v13;
	s6 =	sshra.s32 s9, $0x1F;
	v14 =	vsel vm14, s23, v14;
	s9 =	sshra.s32 s8, $0xC;
	s23 =	sld [smem:$0x7C9];
	v15 =	vmov s5  }
0x1dc: {  	s14 =	sshrl.u32 s12, $0x1F;
	v13 =	vsel vm0, s11, v55;
	v14 =	vsel vm6, s4, v14;
	v16 =	vsel vm3, s9, v15;
	s9 =	sld [smem:$0x7CB]  }
0x1dd: {  	s0 =	sshra.s32 s12, $0xC;
	s10 =	sshrl.u32 s8, $0x1F;
	s11 =	sshra.s32 s8, $0x1F;
	v13 =	vsel vm1, s16, v13;
	v14 =	vsel vm15, s6, v14  }
0x1de: {  	s16 =	sshrl.u32 s15, $0x1F;
	s6 =	sshra.s32 s23, $0x1F;
	v15 =	vsel vm2, s31, v13;
	v13 =	vsel vm7, s7, v14;
	s7 =	sld [smem:$0x7CA]  }
0x1df: {  	v17 =	vmov s10;
	v57 =	vmov s16;
	s16 =	sld [smem:$0x7CE];
	s31 =	sshra.s32 s23, $0xC;
	v56 =	vsel vm9, s11, v16;
	s10 =	sshra.s32 s9, $0xC  }
0x1e0: {  	v14 =	vsel vm0, s31, v56;
	s11 =	sshrl.u32 s9, $0x1F;
	s12 =	sshra.s32 s9, $0x1F;
	s9 =	sld [smem:$0x7CD]  }
0x1e1: {  	v17 =	vnsel vm3, $0x0, v17;
	s5 =	sshrl.u32 s23, $0x1F;
	v16 =	vsel vm0, s14, v57;
	v14 =	vsel vm10, s6, v14;
	s8 =	sshrl.u32 s7, $0x1F;
	s6 =	sld [smem:$0x7CF]  }
0x1e2: {  	s1 =	sshra.s32 s15, $0xC;
	v18 =	vsel vm0, s5, v17;
	v16 =	vsel vm1, s8, v16;
	s8 =	sld [smem:$0x7CC]  }
0x1e3: {  	s23 =	sshrl.u32 s16, $0x1F;
	s31 =	sshra.s32 s16, $0xC;
	v14 =	vsel vm1, s10, v14;
	v58 =	vsel vm1, s11, v18;
	s11 =	sld [smem:$0x7D0]  }
0x1e4: {  	s4 =	sshra.s32 s7, $0xC;
	s7 =	sshra.s32 s16, $0x1F;
	v14 =	vsel vm11, s12, v14;
	s12 =	sld [smem:$0x7D2]  }
0x1e5: {  	s15 =	sshrl.u32 s9, $0x1F;
	v14 =	vsel vm2, s31, v14;
	s10 =	sshrl.u32 s6, $0x1F;
	s5 =	sshra.s32 s9, $0xC  }
0x1e6: {  	s14 =	sshrl.u32 s8, $0x1F;
	v59 =	vmov s15;
	v14 =	vsel vm12, s7, v14;
	s7 =	sld [smem:$0x7D1];
	s31 =	sshra.s32 s11, $0x1F  }
0x1e7: {  	v17 =	vsel vm2, s14, v16;
	v16 =	vsel vm2, s23, v58;
	s14 =	sshrl.u32 s11, $0x1F;
	v18 =	vsel vm0, s10, v59;
	s23 =	sshra.s32 s11, $0xC;
	s10 =	sld [smem:$0x7D3]  }
0x1e8: {  	s2 =	sshra.s32 s8, $0xC;
	s16 =	sshrl.u32 s12, $0x1F;
	v16 =	vsel vm4, s14, v16;
	v14 =	vsel vm4, s23, v14;
	s14 =	sld [smem:$0x7D4]  }
0x1e9: {  	s23 =	sshra.s32 s12, $0xC;
	s15 =	sshrl.u32 s7, $0x1F;
	v14 =	vsel vm13, s31, v14;
	s31 =	sshra.s32 s6, $0xC  }
0x1ea: {  	s6 =	sshra.s32 s12, $0x1F;
	s8 =	sshra.s32 s7, $0xC;
	s7 =	sld [smem:$0x7D8]  }
0x1eb: {  	v60 =	vmov s1;
	v18 =	vsel vm1, s15, v18;
	s11 =	sshrl.u32 s10, $0x1F;
	v14 =	vsel vm5, s23, v14;
	s9 =	sshra.s32 s10, $0xC;
	s15 =	sshrl.u32 s14, $0x1F  }
0x1ec: {  	v20 =	vmov s5;
	v16 =	vsel vm5, s16, v16;
	v14 =	vsel vm14, s6, v14;
	s10 =	sshra.s32 s14, $0xC;
	s12 =	sshra.s32 s14, $0x1F;
	s14 =	sld [smem:$0x7D5]  }
0x1ed: {  	s16 =	sshrl.u32 s13, $0x1F;
	v21 =	vsel vm0, s31, v20;
	v16 =	vsel vm6, s15, v16;
	v14 =	vsel vm6, s10, v14;
	s10 =	sld [smem:$0x7D9]  }
0x1ee: {  	s13 =	sshra.s32 s13, $0xC;
	v19 =	vsel vm2, s11, v18;
	v61 =	vsel vm1, s8, v21;
	s8 =	sshrl.u32 s7, $0x1F;
	v16 =	vsel vm7, s16, v16;
	s16 =	sld [smem:$0x7D6]  }
0x1ef: {  	v18 =	vsel vm0, s0, v60;
	v21 =	vsel vm2, s9, v61;
	s9 =	sshra.s32 s7, $0xC;
	v14 =	vsel vm15, s12, v14;
	s12 =	sshra.s32 s7, $0x1F;
	s7 =	sld [smem:$0x7DD]  }
0x1f0: {  	v18 =	vsel vm1, s4, v18;
	s15 =	sshrl.u32 s14, $0x1F;
	s0 =	sshra.s32 s14, $0xC;
	s14 =	sld [smem:$0x7D7]  }
0x1f1: {  	v20 =	vsel vm2, s2, v18;
	v18 =	vsel vm7, s13, v14;
	s13 =	sld [smem:$0x7DA];
	s11 =	sshrl.u32 s10, $0x1F  }
0x1f2: {  	s23 =	sshrl.u32 s16, $0x1F;
	s2 =	sshra.s32 s16, $0xC;
	s16 =	sld [smem:$0x7DB]  }
0x1f3: {  	s3 =	sshra.s32 s10, $0xC;
	s10 =	sld [smem:$0x7DC];
	s31 =	sshra.s32 s14, $0x1F  }
0x1f4: {  	v23 =	vmov s8;
	s8 =	sld [smem:$0x7DE];
	v22 =	vmov s23;
	v62 =	vmov s31  }
0x1f5: {  	v23 =	vnsel vm3, $0x0, v23;
	s1 =	sshra.s32 s13, $0xC;
	v22 =	vsel vm0, s15, v22;
	s15 =	sshrl.u32 s13, $0x1F;
	v14 =	vsel vm3, s9, v62;
	s23 =	sshrl.u32 s16, $0x1F  }
0x1f6: {  	s31 =	sshra.s32 s16, $0xC;
	v22 =	vsel vm1, s11, v22;
	s11 =	sshrl.u32 s10, $0x1F;
	v14 =	vsel vm9, s12, v14;
	v24 =	vsel vm0, s23, v23;
	s12 =	sshrl.u32 s7, $0x1F  }
0x1f7: {  	s13 =	sshrl.u32 s8, $0x1F;
	s9 =	sshra.s32 s16, $0x1F;
	v14 =	vsel vm0, s31, v14;
	v37 =	vsel vm1, s11, v24;
	v38 =	vmov s12;
	s12 =	sld [smem:$0x7E2]  }
0x1f8: {  	v63 =	vsel vm2, s15, v22;
	s15 =	sshra.s32 s10, $0xC;
	v14 =	vsel vm10, s9, v14;
	v22 =	vsel vm2, s13, v37;
	s13 =	sld [smem:$0x7E0]  }
0x1f9: {  	s16 =	sshra.s32 s10, $0x1F;
	s9 =	sld [smem:$0x7DF];
	v14 =	vsel vm1, s15, v14  }
0x1fa: {  	s10 =	sld [smem:$0x7E1];
	s15 =	sshra.s32 s8, $0xC;
	v14 =	vsel vm11, s16, v14;
	s16 =	sshra.s32 s8, $0x1F  }
0x1fb: {  	s8 =	sld [smem:$0x7E3];
	s31 =	sshrl.u32 s13, $0x1F;
	v14 =	vsel vm2, s15, v14;
	s15 =	sshra.s32 s7, $0xC  }
0x1fc: {  	s11 =	sshrl.u32 s12, $0x1F;
	s23 =	sshrl.u32 s9, $0x1F;
	v22 =	vsel vm4, s31, v22;
	v26 =	vmov s15;
	s15 =	sld [smem:$0x7E5]  }
0x1fd: {  	s6 =	sshrl.u32 s10, $0x1F;
	s4 =	sshra.s32 s9, $0xC;
	v24 =	vsel vm0, s23, v38;
	v22 =	vsel vm5, s11, v22;
	s11 =	sld [smem:$0x7E4]  }
0x1fe: {  	s9 =	sshra.s32 s13, $0xC;
	v14 =	vsel vm12, s16, v14;
	s16 =	sshra.s32 s10, $0xC;
	v24 =	vsel vm1, s6, v24;
	s23 =	sshrl.u32 s8, $0x1F  }
0x1ff: {  	v39 =	vmov s2;
	v14 =	vsel vm4, s9, v14;
	v25 =	vsel vm2, s23, v24;
	s23 =	sshra.s32 s13, $0x1F;
	s13 =	sld [smem:$0x7E6];
	s5 =	sshrl.u32 s15, $0x1F  }
0x200: {  	v24 =	vsel vm0, s0, v39;
	v14 =	vsel vm13, s23, v14;
	s0 =	sshra.s32 s15, $0xC;
	s23 =	sld [smem:$0x7E7];
	s31 =	sshrl.u32 s11, $0x1F  }
0x201: {  	v27 =	vsel vm0, s4, v26;
	s15 =	sld [smem:$0x7EA];
	v22 =	vsel vm6, s31, v22;
	s31 =	sshra.s32 s8, $0xC;
	s8 =	sshra.s32 s12, $0xC  }
0x202: {  	s9 =	sshra.s32 s12, $0x1F;
	v40 =	vsel vm1, s16, v27;
	s16 =	sshra.s32 s13, $0x1F;
	v14 =	vsel vm5, s8, v14;
	s8 =	sld [smem:$0x7E8]  }
0x203: {  	s7 =	sshra.s32 s14, $0xC;
	s10 =	sshra.s32 s11, $0xC;
	v41 =	vmov s16;
	s16 =	sld [smem:$0x7EB];
	v14 =	vsel vm14, s9, v14  }
0x204: {  	s12 =	sshra.s32 s11, $0x1F;
	v27 =	vsel vm2, s31, v40;
	s31 =	sshrl.u32 s23, $0x1F;
	s2 =	sshra.s32 s23, $0xC;
	v14 =	vsel vm6, s10, v14  }
0x205: {  	s9 =	sshra.s32 s8, $0xC;
	v14 =	vsel vm15, s12, v14;
	s10 =	sshrl.u32 s8, $0x1F;
	s12 =	sld [smem:$0x7E9]  }
0x206: {  	s11 =	sshra.s32 s8, $0x1F;
	s23 =	sshra.s32 s16, $0xC;
	v29 =	vmov s10;
	s10 =	sld [smem:$0x7EC]  }
0x207: {  	v24 =	vsel vm1, s3, v24;
	v42 =	vmov s31;
	s31 =	sshrl.u32 s16, $0x1F;
	v28 =	vsel vm3, s9, v41;
	s9 =	sshra.s32 s16, $0x1F;
	s16 =	sld [smem:$0x7EE]  }
0x208: {  	s6 =	sshrl.u32 s14, $0x1F;
	v26 =	vsel vm2, s1, v24;
	s1 =	sshra.s32 s15, $0xC;
	v28 =	vsel vm9, s11, v28;
	s11 =	sld [smem:$0x7ED]  }
0x209: {  	v24 =	vsel vm7, s7, v14;
	s7 =	sshrl.u32 s15, $0x1F;
	v29 =	vnsel vm3, $0x0, v29;
	s14 =	sshrl.u32 s12, $0x1F;
	s3 =	sshra.s32 s12, $0xC  }
0x20a: {  	v14 =	vsel vm0, s5, v42;
	v28 =	vsel vm0, s23, v28;
	v30 =	vsel vm0, s31, v29;
	s31 =	sld [smem:$0x7EF];
	s5 =	sshrl.u32 s10, $0x1F;
	s23 =	sshrl.u32 s16, $0x1F  }
0x20b: {  	v28 =	vsel vm10, s9, v28;
	s8 =	sshra.s32 s10, $0xC;
	s12 =	sshra.s32 s11, $0xC;
	v44 =	vmov s23;
	s23 =	sld [smem:$0x7F1]  }
0x20c: {  	v14 =	vsel vm1, s14, v14;
	s4 =	sshra.s32 s16, $0xC;
	s14 =	sshrl.u32 s11, $0x1F;
	s15 =	sshra.s32 s11, $0x1F;
	v28 =	vsel vm1, s12, v28  }
0x20d: {  	(v2sf) =	vpush v8, $0x5;
	v43 =	vsel vm1, s14, v30;
	s11 =	sshrl.u32 s31, $0x1F;
	s12 =	sshra.s32 s31, $0xC;
	v28 =	vsel vm11, s15, v28;
	s15 =	sld [smem:$0x7F0]  }
0x20e: {  	v29 =	vsel vm2, s7, v14;
	s14 =	sshra.s32 s31, $0x1F;
	v14 =	vsel vm2, s11, v43;
	s11 =	sld [smem:$0x7F2];
	v28 =	vsel vm2, s12, v28;
	s31 =	sshrl.u32 s23, $0x1F  }
0x20f: {  	s10 =	sshra.s32 s23, $0xC;
	v28 =	vsel vm12, s14, v28;
	s14 =	sshra.s32 s23, $0x1F;
	s23 =	sld [smem:$0x7F3]  }
0x210: {  	(v2sf) =	vpush v8, $0x6;
	v30 =	vsel vm0, s5, v44;
	s16 =	sshrl.u32 s15, $0x1F;
	s5 =	sshra.s32 s15, $0xC;
	s15 =	rddreg [dreg:$0x1e]  }
0x211: {  	v14 =	vsel vm4, s31, v14;
	s9 =	sshrl.u32 s11, $0x1F;
	v28 =	vsel vm4, s10, v28;
	s10 =	sshra.s32 s11, $0xC;
	v30 =	vsel vm1, s16, v30;
	s16 =	sshrl.u32 s15, $0x1F  }
0x212: {  	v22 =	vsel vm7, s6, v22;
	v14 =	vsel vm5, s9, v14;
	v45 =	vsel vm13, s14, v28;
	s6 =	sshra.s32 s15, $0xC;
	s9 =	sshrl.u32 s13, $0x1F;
	s14 =	sshra.s32 s11, $0x1F  }
0x213: {  	s31 =	sshrl.u32 s23, $0x1F;
	v33 =	vsel vm2, s16, v30;
	v30 =	vsel vm5, s10, v45;
	s15 =	sshra.s32 s23, $0xC;
	s10 =	sld [smem:$0x7F5]  }
0x214: {  	s16 =	sshra.s32 s23, $0x1F;
	s23 =	sshra.s32 s13, $0xC;
	s13 =	sld [smem:$0x7F7]  }
0x215: {  	v14 =	vsel vm6, s31, v14;
	v30 =	vsel vm14, s14, v30;
	s31 =	sld [smem:$0x7F4]  }
0x216: {  	v30 =	vsel vm6, s15, v30;
	s15 =	rddreg [dreg:$0x1f]  }
0x217: {  	v28 =	vsel vm7, s9, v14;
	s9 =	sld [smem:$0x7F8]  }
0x218: {  	v46 =	vmov s2;
	v31 =	vmov s4;
	v30 =	vsel vm15, s16, v30;
	s16 =	sld [smem:$0x7F6]  }
0x219: {  	v31 =	vsel vm0, s8, v31;
	v14 =	vsel vm0, s0, v46;
	s7 =	sshrl.u32 s10, $0x1F;
	s8 =	sshra.s32 s10, $0xC;
	s11 =	sshrl.u32 s15, $0x1F  }
0x21a: {  	v14 =	vsel vm1, s3, v14;
	s0 =	sshrl.u32 s13, $0x1F;
	s2 =	sshrl.u32 s31, $0x1F;
	s14 =	sshra.s32 s31, $0xC  }
0x21b: {  	v47 =	vsel vm1, s5, v31;
	s3 =	sshra.s32 s31, $0x1F;
	v34 =	vsel vm2, s1, v14;
	s31 =	sshra.s32 s9, $0x1F;
	v49 =	vmov s2;
	s12 =	sshrl.u32 s16, $0x1F  }
0x21c: {  	s1 =	sshra.s32 s10, $0x1F;
	s10 =	spop (v2sf);
	v32 =	vmov s31;
	v35 =	vnsel vm3, $0x0, v49;
	v48 =	vmov s12;
	s12 =	rddreg [dreg:$0x1d]  }
0x21d: {  	v31 =	vsel vm7, s23, v30;
	s23 =	sshra.s32 s13, $0xC;
	s2 =	smulhi.u32 $0x68DB8BAD, s10;
	v32 =	vsel vm3, s14, v32;
	s14 =	rddreg [dreg:$0x1b];
	v50 =	vsel vm0, s7, v35  }
0x21e: {  	v36 =	vsel vm2, s6, v47;
	v14 =	vsel vm0, s11, v48;
	s6 =	sshrl.u32 s12, $0x1F;
	s11 =	sshra.s32 s10, $0x1F;
	v37 =	vsel vm1, s0, v50;
	s0 =	sld [smem:$0x7F9]  }
0x21f: {  	s31 =	sshrl.u32 s14, $0x1F;
	v32 =	vsel vm9, s3, v32;
	s3 =	smul.u32 $0x68DB8BAD, s11;
	s11 =	rddreg [dreg:$0x1c]  }
0x220: {  	v14 =	vsel vm1, s6, v14;
	s6 =	spop (v2sf);
	v32 =	vsel vm0, s8, v32;
	s8 =	rddreg [dreg:$0x19];
	s4 =	sshrl.u32 s11, $0x1F  }
0x221: {  	s10 =	smulhi.u32 $0x68DB8BAD, s6;
	v32 =	vsel vm10, s1, v32;
	s6 =	sshra.s32 s6, $0x1F;
	v51 =	vmov s4;
	s4 =	sld [smem:$0x7FA]  }
0x222: {  	v30 =	vsel vm2, s31, v14;
	s31 =	sshrl.u32 s0, $0x1F;
	v32 =	vsel vm1, s23, v32;
	s23 =	smul.u32 $0x68DB8BAD, s6;
	s6 =	sld [smem:$0x7FB]  }
0x223: {  	s13 =	sshra.s32 s13, $0x1F;
	s7 =	sshrl.u32 s8, $0x1F;
	v37 =	vsel vm2, s31, v37;
	s31 =	rddreg [dreg:$0x1a]  }
0x224: {  	v35 =	vsel vm0, s7, v51;
	v32 =	vsel vm11, s13, v32;
	s13 =	sld [smem:$0x7FC];
	s7 =	sshrl.u32 s4, $0x1F  }
0x225: {  	s15 =	sshra.s32 s15, $0xC;
	s5 =	sshrl.u32 s31, $0x1F;
	v37 =	vsel vm4, s7, v37;
	s7 =	rddreg [dreg:$0x18]  }
0x226: {  	s23 =	sadd.s32 s23, s10;
	v35 =	vsel vm1, s5, v35;
	s5 =	sshrl.u32 s6, $0x1F;
	s1 =	sshrl.u32 s7, $0x1F  }
0x227: {  	s10 =	sshrl.u32 s9, $0x1F;
	v37 =	vsel vm5, s5, v37;
	s5 =	sshra.s32 s0, $0xC;
	v35 =	vsel vm2, s1, v35;
	s1 =	sadd.s32 s3, s2  }
0x228: {  	s3 =	sshrl.u32 s13, $0x1F;
	v38 =	vsel vm2, s5, v32;
	s5 =	sshra.s32 s0, $0x1F;
	s0 =	sshra.s32 s16, $0xC  }
0x229: {  	v14 =	vld [tilespmem:$0x70];
	s16 =	smov.u32 s6;
	s6 =	sshra.s32 s6, $0xC;
	v37 =	vsel vm6, s3, v37;
	v52 =	vsel vm12, s5, v38;
	s5 =	smov.u32 s4  }
0x22a: {  	s4 =	sshra.s32 s4, $0xC;
	s3 =	rddreg [dreg:$0x15];
	v32 =	vsel vm7, s10, v37;
	s10 =	sshra.s32 s12, $0xC  }
0x22b: {  	v53 =	vmov s0;
	v37 =	vsel vm4, s4, v52;
	s4 =	sshra.s32 s14, $0xC;
	s12 =	sshra.s32 s5, $0x1F;
	s14 =	sshra.s32 s8, $0xC  }
0x22c: {  	v38 =	vsel vm0, s15, v53;
	s15 =	sshra.s32 s11, $0xC;
	s8 =	sshra.s32 s7, $0xC;
	s11 =	sshra.s32 s13, $0xC  }
0x22d: {  	(v2sf) =	vpush v8, $0x7;
	s7 =	sshrl.u32 s3, $0x1F;
	v38 =	vsel vm1, s10, v38;
	s10 =	sshra.s32 s16, $0x1F;
	v39 =	vmov s15;
	s15 =	rddreg [dreg:$0x13]  }
0x22e: {  	(v2sf) =	vpush v14, $0xD;
	v37 =	vsel vm13, s12, v37;
	s12 =	sshra.s32 s13, $0x1F;
	s13 =	sshra.s32 s9, $0xC;
	v39 =	vsel vm0, s14, v39;
	s14 =	rddreg [dreg:$0x14]  }
0x22f: {  	(v2sf) =	vpush v14, $0xC;
	v37 =	vsel vm5, s6, v37;
	s6 =	sshra.s32 s31, $0xC;
	s16 =	sshrl.u32 s15, $0x1F;
	s31 =	sld [smem:$0x7FD]  }
0x230: {  	(v2sf) =	vpush v14, $0xE;
	v37 =	vsel vm14, s10, v37;
	s9 =	sshrl.u32 s14, $0x1F;
	s2 =	sshra.s32 s14, $0xC;
	s14 =	rddreg [dreg:$0x16]  }
0x231: {  	(v2sf) =	vpush v14, $0xF;
	s5 =	sshra.s32 s15, $0xC;
	v39 =	vsel vm1, s6, v39;
	v37 =	vsel vm6, s11, v37;
	s11 =	rddreg [dreg:$0x11];
	s15 =	sshrl.u32 s14, $0x1F  }
0x232: {  	v40 =	vmov s16;
	v39 =	vsel vm2, s8, v39;
	s16 =	sshra.s32 s14, $0xC;
	v37 =	vsel vm15, s12, v37;
	s8 =	sshrl.u32 s11, $0x1F;
	s12 =	sshra.s32 s31, $0x1F  }
0x233: {  	v38 =	vsel vm2, s4, v38;
	s4 =	sshra.s32 s11, $0xC;
	v37 =	vsel vm7, s13, v37;
	v41 =	vmov s12;
	s13 =	rddreg [dreg:$0x10];
	s12 =	sshra.s32 s14, $0x1F  }
0x234: {  	(v2sf) =	vpush v14, $0x9;
	v42 =	vmov s15;
	s14 =	rddreg [dreg:$0x12];
	s10 =	sshrl.u32 s13, $0x1F;
	s6 =	sshra.s32 s13, $0xC  }
0x235: {  	(v2sf) =	vpush v14, $0x8;
	v42 =	vnsel vm3, $0x0, v42;
	v41 =	vsel vm3, s16, v41;
	s13 =	rddreg [dreg:$0xd];
	s15 =	sshrl.u32 s14, $0x1F;
	s16 =	sshra.s32 s14, $0xC  }
0x236: {  	(v2sf) =	vpush v14, $0xA;
	v40 =	vsel vm0, s9, v40;
	s0 =	sshra.s32 s14, $0x1F;
	s11 =	sshrl.u32 s13, $0x1F;
	v42 =	vsel vm0, s15, v42;
	s15 =	rddreg [dreg:$0xf]  }
0x237: {  	(v2sf) =	vpush v14, $0xB;
	v40 =	vsel vm1, s7, v40;
	s7 =	sshra.s32 s13, $0xC;
	s13 =	rddreg [dreg:$0xa];
	s14 =	sshrl.u32 s15, $0x1F  }
0x238: {  	s3 =	sshra.s32 s3, $0xC;
	v54 =	vmov s5;
	s5 =	sshra.s32 s30, $0xC;
	v41 =	vsel vm9, s12, v41;
	v42 =	vsel vm1, s14, v42;
	s14 =	rddreg [dreg:$0xe]  }
0x239: {  	(v2sf) =	vpush v14, $0x0;
	v41 =	vsel vm0, s16, v41;
	s9 =	sshrl.u32 s13, $0x1F;
	s12 =	sshra.s32 s13, $0xC;
	v43 =	vmov s11;
	s16 =	sshrl.u32 s14, $0x1F  }
0x23a: {  	v45 =	vmov s7;
	v41 =	vsel vm10, s0, v41;
	s0 =	sshra.s32 s15, $0xC;
	v42 =	vsel vm2, s16, v42;
	s16 =	sshra.s32 s15, $0x1F;
	s15 =	rddreg [dreg:$0xc]  }
0x23b: {  	v43 =	vsel vm0, s10, v43;
	s10 =	sshrl.u32 s30, $0x1F;
	v45 =	vsel vm0, s6, v45;
	s6 =	sshra.s32 s31, $0xC;
	v41 =	vsel vm1, s0, v41;
	s13 =	sshrl.u32 s15, $0x1F  }
0x23c: {  	v40 =	vsel vm2, s8, v40;
	s0 =	sshra.s32 s14, $0xC;
	s8 =	sshra.s32 s14, $0x1F;
	v41 =	vsel vm11, s16, v41;
	v42 =	vsel vm4, s13, v42;
	s13 =	rddreg [dreg:$0xb]  }
0x23d: {  	s14 =	spop (v2sf);
	v41 =	vsel vm2, s0, v41;
	s0 =	rddreg [dreg:$0x9];
	s16 =	sshrl.u32 s13, $0x1F  }
0x23e: {  	v43 =	vsel vm1, s9, v43;
	s9 =	sshrl.u32 s31, $0x1F;
	v45 =	vsel vm1, s12, v45;
	s12 =	sshrl.u32 s24, $0x1F;
	v42 =	vsel vm5, s16, v42;
	s16 =	sshrl.u32 s0, $0x1F  }
0x23f: {  	v10 =	vcombine.low v10, v9;
	s11 =	spop (v2sf);
	s31 =	sshra.s32 s14, $0x1F;
	v44 =	vsel vm12, s8, v41;
	v42 =	vsel vm6, s16, v42;
	s16 =	sshra.s32 s15, $0xC  }
0x240: {  	v43 =	vsel vm2, s10, v43;
	s10 =	spop (v2sf);
	s30 =	sshra.s32 s13, $0xC;
	v44 =	vsel vm4, s16, v44;
	s16 =	sshra.s32 s15, $0x1F  }
0x241: {  	v10 =	vperm.xlane v10, v0;
	s13 =	sshra.s32 s13, $0x1F;
	v41 =	vsel vm7, s9, v42;
	s9 =	spop (v2sf);
	s15 =	sshra.s32 s0, $0xC;
	v44 =	vsel vm13, s16, v44  }
0x242: {  	(v2sf) =	vpush v14, $0x1;
	v42 =	vsel vm0, s2, v54;
	s2 =	smulhi.u32 $0x68DB8BAD, s14;
	s14 =	sshrl.u32 s18, $0x1F;
	s8 =	spop (v2sf);
	v44 =	vsel vm5, s30, v44  }
0x243: {  	(v2sf) =	vpush v14, $0x2;
	s18 =	sshra.s32 s18, $0xC;
	v42 =	vsel vm1, s3, v42;
	s7 =	spop (v2sf);
	s30 =	sshrl.u32 s29, $0x1F;
	v44 =	vsel vm14, s13, v44  }
0x244: {  	s16 =	sshra.s32 s0, $0x1F;
	s0 =	sshrl.u32 s28, $0x1F;
	v42 =	vsel vm2, s4, v42;
	s3 =	spop (v2sf);
	v46 =	vmov s30;
	v44 =	vsel vm6, s15, v44  }
0x245: {  	v47 =	vmov s0;
	s0 =	sshrl.u32 s21, $0x1F;
	s4 =	spop (v2sf);
	v46 =	vnsel vm3, $0x0, v46;
	v44 =	vsel vm15, s16, v44;
	s16 =	sshrl.u32 s17, $0x1F  }
0x246: {  	v45 =	vsel vm2, s5, v45;
	s13 =	sshrl.u32 s25, $0x1F;
	s30 =	sshrl.u32 s19, $0x1F;
	s5 =	spop (v2sf);
	(v2sf) =	vpush v14, $0x3;
	v46 =	vsel vm0, s16, v46  }
0x247: {  	v11 =	vperm.xlane v11, v1;
	s25 =	sshra.s32 s25, $0xC;
	v47 =	vsel vm0, s13, v47;
	s13 =	sshrl.u32 s22, $0x1F;
	v46 =	vsel vm1, s30, v46;
	s30 =	rddreg [dreg:$0x17]  }
0x248: {  	v12 =	vcombine.low v15, v12;
	v44 =	vsel vm7, s6, v44;
	s6 =	smul.u32 $0x68DB8BAD, s31;
	s31 =	sshrl.u32 s26, $0x1F;
	v46 =	vsel vm2, s0, v46;
	s0 =	rddreg [dreg:$0x8]  }
0x249: {  	v10 =	vsel vm8, v11, v10;
	v13 =	vperm.xlane v13, v1;
	s15 =	sshrl.u32 s1, $0x1F;
	v48 =	vmov s31;
	s16 =	sshrl.u32 s30, $0x1F;
	s31 =	sshrl.u32 s0, $0x1F  }
0x24a: {  	v12 =	vperm.xlane v12, v0;
	s2 =	sadd.s32 s6, s2;
	s6 =	spop (v2sf);
	v48 =	vsel vm0, s16, v48;
	s16 =	sshrl.u32 s20, $0x1F;
	v46 =	vsel vm4, s31, v46  }
0x24b: {  	v47 =	vsel vm1, s12, v47;
	s12 =	sshrl.u32 s2, $0x1F;
	v48 =	vsel vm1, s14, v48;
	s31 =	sshrl.u32 s23, $0x1F;
	v49 =	vsel vm5, s15, v46;
	s15 =	sshra.s32 s28, $0xC  }
0x24c: {  	v12 =	vsel vm8, v13, v12;
	v46 =	vsel vm2, s13, v47;
	v47 =	vsel vm2, s16, v48;
	s16 =	sshra.s32 s2, $0x1F;
	s28 =	sshra.s32 s24, $0xC;
	s24 =	sshra.s32 s17, $0xC  }
0x24d: {  	v10 =	vadd.s32 v10, v12;
	s13 =	smulhi.u32 $0x68DB8BAD, s10;
	v55 =	vsel vm6, s31, v49;
	v50 =	vmov s16;
	s31 =	sshra.s32 s29, $0xC;
	s16 =	sshra.s32 s26, $0xC  }
0x24e: {  	v61 =	vcombine.low v19, v17;
	v56 =	vmov s15;
	s26 =	sshra.s32 s17, $0x1F;
	s17 =	smulhi.u32 $0x68DB8BAD, s9;
	v9 =	vsel vm7, s12, v55;
	s12 =	sshra.s32 s22, $0xC  }
0x24f: {  	v16 =	vperm.xlane v16, v1;
	v18 =	vperm.xlane v18, v1;
	v57 =	vsel vm0, s25, v56;
	s22 =	sshra.s32 s29, $0x1F;
	s25 =	smulhi.u32 $0x68DB8BAD, s11;
	s11 =	sshra.s32 s11, $0x1F  }
0x250: {  	v62 =	vcombine.low v21, v20;
	v58 =	vsel vm3, s31, v50;
	v60 =	vmov s16;
	s29 =	sshra.s32 s10, $0x1F;
	s31 =	sshra.s32 s30, $0xC;
	s11 =	smul.u32 $0x68DB8BAD, s11  }
0x251: {  	(v2sf) =	vpush v14, $0x4;
	s10 =	spop (v2sf);
	s30 =	sshra.s32 s7, $0x1F;
	v49 =	vsel vm9, s22, v58;
	s14 =	smul.u32 $0x68DB8BAD, s29;
	v50 =	vsel vm0, s31, v60  }
0x252: {  	v48 =	vsel vm1, s28, v57;
	s28 =	sshra.s32 s19, $0xC;
	v59 =	vsel vm0, s24, v49;
	s24 =	sshra.s32 s9, $0x1F;
	v53 =	vsel vm1, s18, v50;
	s18 =	smulhi.u32 $0x68DB8BAD, s7  }
0x253: {  	v13 =	vperm.xlane v62, v0;
	v63 =	vcombine.low v25, v63;
	(v2sf) =	vpush v14, $0x5;
	s22 =	sshra.s32 s19, $0x1F;
	s9 =	sadd.s32 s11, s25;
	s15 =	smul.u32 $0x68DB8BAD, s24  }
0x254: {  	v51 =	vcombine.low v27, v26;
	v15 =	vsel vm10, s26, v59;
	s11 =	smulhi.u32 $0x68DB8BAD, s8;
	s26 =	sshra.s32 s8, $0x1F;
	s8 =	spop (v2sf);
	(v2sf) =	vpush v14, $0x6  }
0x255: {  	v17 =	vperm.xlane v63, v0;
	v52 =	vcombine.low v33, v29;
	s29 =	sshra.s32 s21, $0x1F;
	s24 =	smulhi.u32 $0x68DB8BAD, s3;
	s7 =	spop (v2sf);
	(v2sf) =	vpush v14, $0x7  }
0x256: {  	v13 =	vsel vm8, v18, v13;
	v20 =	vperm.xlane v51, v0;
	v30 =	vcombine.low v35, v30;
	s31 =	sshra.s32 s0, $0xC;
	s25 =	sshra.s32 s21, $0xC;
	s21 =	smul.u32 $0x68DB8BAD, s26  }
0x257: {  	v21 =	vperm.xlane v52, v0;
	v54 =	vmul.u32 $0x2710, v10;
	s14 =	sadd.s32 s14, s13;
	v15 =	vsel vm1, s28, v15;
	s28 =	sshra.s32 s20, $0xC;
	s20 =	smul.u32 $0x68DB8BAD, s30  }
0x258: {  	v55 =	vperm.xlane v61, v0;
	v56 =	vcombine.low v36, v34;
	s26 =	sshrl.u32 s9, $0x1F;
	s9 =	sshra.s32 s9, $0xC;
	v15 =	vsel vm11, s22, v15;
	s22 =	sshrl.u32 s14, $0x1F  }
0x259: {  	v3 =	vsub.s32 v3, v54;
	v61 =	vperm.xlane v31, v1;
	v31 =	vcombine.low v39, v38;
	s16 =	sadd.s32 s15, s17;
	s11 =	sadd.s32 s21, s11;
	s21 =	smulhi.u32 $0x68DB8BAD, s10  }
0x25a: {  	v34 =	vcombine.low v43, v40;
	s14 =	sshra.s32 s14, $0xC;
	v15 =	vsel vm2, s25, v15;
	s25 =	sshra.s32 s3, $0x1F;
	v57 =	vmov s22;
	s22 =	smulhi.u32 $0x68DB8BAD, s8  }
0x25b: {  	v36 =	vperm.xlane v32, v1;
	v11 =	vsel vm2, s12, v48;
	v12 =	vsel vm2, s28, v53;
	s17 =	sshrl.u32 s16, $0x1F;
	s12 =	sadd.s32 s20, s18;
	s28 =	smul.u32 $0x68DB8BAD, s25  }
0x25c: {  	v38 =	vperm.xlane v37, v1;
	v58 =	vperm.xlane v22, v1;
	s8 =	sshra.s32 s8, $0x1F;
	s16 =	sshra.s32 s16, $0xC;
	v15 =	vsel vm12, s29, v15;
	s29 =	smulhi.u32 $0x68DB8BAD, s4  }
0x25d: {  	v60 =	vperm.xlane v28, v1;
	v9 =	vperm.xlane v9, v1;
	s4 =	sshra.s32 s4, $0x1F;
	v62 =	vsel vm0, s26, v57;
	s26 =	sshrl.u32 s12, $0x1F;
	s8 =	smul.u32 $0x68DB8BAD, s8  }
0x25e: {  	v16 =	vsel vm8, v16, v55;
	v43 =	vperm.xlane v34, v0;
	v48 =	vperm.xlane v41, v1;
	s19 =	sshrl.u32 s11, $0x1F;
	s11 =	sshra.s32 s11, $0xC;
	s30 =	smul.u32 $0x68DB8BAD, s4  }
0x25f: {  	v49 =	vcombine.low v45, v42;
	v59 =	vperm.xlane v24, v1;
	s12 =	sshra.s32 s12, $0xC;
	v10 =	vsel vm4, s31, v15;
	s31 =	smulhi.u32 $0x68DB8BAD, s5;
	s5 =	sshra.s32 s5, $0x1F  }
0x260: {  	v50 =	vcombine.low v47, v46;
	v13 =	vadd.s32 v16, v13;
	s3 =	spop (v2sf);
	v28 =	vsel vm1, s17, v62;
	s17 =	sshra.s32 s23, $0xC;
	s25 =	smul.u32 $0x68DB8BAD, s5  }
0x261: {  	v17 =	vsel vm8, v58, v17;
	v13 =	vmul.u32 $0x2710, v13;
	v18 =	vsel vm8, v59, v20;
	s13 =	sadd.s32 s28, s24;
	s28 =	smulhi.u32 $0x68DB8BAD, s6;
	s6 =	sshra.s32 s6, $0x1F  }
0x262: {  	v16 =	vsel vm8, v60, v21;
	v53 =	vperm.xlane v44, v1;
	v17 =	vadd.s32 v17, v18;
	s24 =	sshrl.u32 s13, $0x1F;
	s20 =	smul.u32 $0x68DB8BAD, s6;
	s4 =	spop (v2sf)  }
0x263: {  	v35 =	vmov s14;
	v18 =	vperm.xlane v31, v0;
	v2 =	vsub.s32 v2, v13;
	s15 =	sadd.s32 s30, s29;
	s29 =	sshra.s32 s10, $0x1F;
	s6 =	spop (v2sf)  }
0x264: {  	v11 =	vcombine.low v12, v11;
	v22 =	vsel vm0, s9, v35;
	v63 =	vmov s24;
	s10 =	sadd.s32 s25, s31;
	s31 =	smul.u32 $0x68DB8BAD, s29;
	s25 =	spop (v2sf)  }
0x265: {  	v17 =	vmul.u32 $0x2710, v17;
	v22 =	vsel vm1, s16, v22;
	s8 =	sadd.s32 s8, s22;
	v29 =	vsel vm0, s26, v63;
	s26 =	smulhi.u32 $0x68DB8BAD, s25;
	s9 =	sshra.s32 s25, $0x1F  }
0x266: {  	v15 =	vperm.xlane v56, v0;
	v40 =	vsel vm8, v38, v18;
	v51 =	vsel vm2, s11, v22;
	s11 =	sshra.s32 s1, $0xC;
	s1 =	sshra.s32 s1, $0x1F;
	s29 =	smul.u32 $0x68DB8BAD, s9  }
0x267: {  	v18 =	vperm.xlane v50, v0;
	v11 =	vperm.xlane v11, v0;
	v19 =	vsel vm2, s19, v28;
	s13 =	sshra.s32 s13, $0xC;
	s30 =	sshrl.u32 s15, $0x1F;
	s24 =	smulhi.u32 $0x68DB8BAD, s7  }
0x268: {  	v4 =	vsub.s32 v4, v17;
	v17 =	vperm.xlane v49, v0;
	v15 =	vsel vm8, v61, v15;
	s7 =	sshra.s32 s7, $0x1F;
	s28 =	sadd.s32 s20, s28;
	s5 =	sadd.s32 s29, s26  }
0x269: {  	v9 =	vsel vm8, v9, v18;
	v15 =	vadd.s32 v16, v15;
	v33 =	vsel vm1, s30, v29;
	s30 =	sadd.s32 s31, s21;
	s31 =	sshra.s32 s0, $0x1F;
	s0 =	sshra.s32 s5, $0x1F  }
0x26a: {  	v16 =	vperm.xlane v30, v0;
	v52 =	vmov s13;
	s15 =	sshra.s32 s15, $0xC;
	s7 =	smul.u32 $0x68DB8BAD, s7;
	s16 =	sshra.s32 s28, $0xC;
	v54 =	vmov s0  }
0x26b: {  	v55 =	vsel vm8, v53, v17;
	s18 =	sshrl.u32 s10, $0x1F;
	v15 =	vmul.u32 $0x2710, v15;
	s10 =	sshra.s32 s10, $0xC;
	s19 =	sshra.s32 s28, $0x1F;
	v24 =	vsel vm3, s16, v54  }
0x26c: {  	v22 =	vsel vm0, s12, v52;
	v39 =	vsel vm8, v36, v16;
	s20 =	sshrl.u32 s28, $0x1F;
	s7 =	sadd.s32 s7, s24;
	s22 =	sshra.s32 s30, $0xC;
	v24 =	vsel vm9, s19, v24  }
0x26d: {  	v22 =	vsel vm1, s15, v22;
	v20 =	vsel vm2, s18, v33;
	s21 =	sshrl.u32 s30, $0x1F;
	s24 =	sshrl.u32 s8, $0x1F;
	s9 =	sshra.s32 s30, $0x1F;
	v56 =	vsel vm0, s22, v24  }
0x26e: {  	v6 =	vsub.s32 v6, v15;
	v13 =	vadd.s32 v39, v40;
	s25 =	smulhi.u32 $0x68DB8BAD, s3;
	s3 =	sshra.s32 s3, $0x1F;
	s26 =	sshra.s32 s8, $0xC;
	v17 =	vsel vm10, s9, v56  }
0x26f: {  	v15 =	vsel vm8, v48, v43;
	v57 =	vsel vm2, s10, v22;
	s28 =	sshrl.u32 s7, $0x1F;
	s3 =	smul.u32 $0x68DB8BAD, s3;
	s8 =	sshra.s32 s8, $0x1F;
	v17 =	vsel vm1, s26, v17  }
0x270: {  	v59 =	vmov s20;
	v10 =	vsel vm13, s31, v10;
	s30 =	sshra.s32 s7, $0xC;
	s29 =	smulhi.u32 $0x68DB8BAD, s4;
	s4 =	sshra.s32 s4, $0x1F;
	v17 =	vsel vm11, s8, v17  }
0x271: {  	v58 =	vcombine.low v20, v19;
	v18 =	vcombine.low v57, v51;
	s7 =	sshra.s32 s7, $0x1F;
	s3 =	sadd.s32 s3, s25;
	s4 =	smul.u32 $0x68DB8BAD, s4;
	v17 =	vsel vm2, s30, v17  }
0x272: {  	v19 =	vnsel vm3, $0x0, v59;
	v10 =	vsel vm5, s11, v10;
	s31 =	smulhi.u32 $0x68DB8BAD, s6;
	s6 =	sshra.s32 s6, $0x1F;
	s0 =	sshra.s32 s3, $0xC;
	v17 =	vsel vm12, s7, v17  }
0x273: {  	v19 =	vsel vm0, s21, v19;
	v10 =	vsel vm14, s1, v10;
	s6 =	smul.u32 $0x68DB8BAD, s6;
	s10 =	sshra.s32 s3, $0x1F;
	s4 =	sadd.s32 s4, s29;
	v17 =	vsel vm4, s0, v17  }
0x274: {  	v19 =	vsel vm1, s24, v19;
	v10 =	vsel vm6, s17, v10;
	s14 =	sshra.s32 s4, $0xC;
	v17 =	vsel vm13, s10, v17  }
0x275: {  	v12 =	vperm.xlane v58, v0;
	v19 =	vsel vm2, s28, v19;
	s6 =	sadd.s32 s6, s31;
	s13 =	sshrl.u32 s3, $0x1F;
	s16 =	sshra.s32 s4, $0x1F;
	v17 =	vsel vm5, s14, v17  }
0x276: {  	s11 =	sshra.s32 s23, $0x1F;
	v60 =	vperm.xlane v18, v0;
	v19 =	vsel vm4, s13, v19;
	s15 =	sshrl.u32 s4, $0x1F;
	s19 =	sshra.s32 s6, $0xC;
	v17 =	vsel vm14, s16, v17  }
0x277: {  	s17 =	sshra.s32 s2, $0xC;
	v10 =	vsel vm15, s11, v10;
	s18 =	sshrl.u32 s6, $0x1F;
	s21 =	sshra.s32 s6, $0x1F;
	v19 =	vsel vm5, s15, v19;
	v17 =	vsel vm6, s19, v17  }
0x278: {  	v10 =	vsel vm7, s17, v10;
	s20 =	sshrl.u32 s5, $0x1F;
	s22 =	sshra.s32 s5, $0xC;
	v19 =	vsel vm6, s18, v19;
	v17 =	vsel vm15, s21, v17  }
0x279: {  	v10 =	vperm.xlane v10, v1;
	v19 =	vsel vm7, s20, v19;
	v17 =	vsel vm7, s22, v17  }
0x27a: {  	[tilespmem:$0x10] =	vst v2;
	v2 =	vadd.s32 v15, v55;
	v19 =	vperm.xlane v19, v1;
	v61 =	vperm.xlane v17, v1  }
0x27b: {  	[tilespmem:$0x0] =	vst v3;
	v62 =	vmul.u32 $0x2710, v13;
	v2 =	vmul.u32 $0x2710, v2;
	v3 =	vsel vm8, v10, v11  }
0x27c: {  	[tilespmem:$0x20] =	vst v4;
	v3 =	vadd.s32 v9, v3;
	v63 =	vsel vm8, v19, v12;
	v10 =	vsel vm8, v61, v60  }
0x27d: {  	[tilespmem:$0x30] =	vst v6;
	v5 =	vsub.s32 v5, v62;
	v3 =	vmul.u32 $0x2710, v3;
	v4 =	vadd.s32 v63, v10  }
0x27e: {  	[tilespmem:$0x40] =	vst v5;
	v2 =	vsub.s32 v7, v2;
	v4 =	vmul.u32 $0x2710, v4  }
0x27f: {  	[tilespmem:$0x50] =	vst v2;
	v2 =	vsub.s32 v8, v3  }
0x280: {  	s23 =	rddreg [dreg:$0x5];
	[tilespmem:$0x60] =	vst v2;
	v2 =	vsub.s32 v14, v4  }
0x281: {  	s24 =	simm.s32 $0x80;
	s25 =	simm.s32 $0x0;
	s26 =	simm.s32 $0x1;
	[tilespmem:$0x70] =	vst v2  }
0x282: {  	[tilespmem:s24], [sflag:$0x1] =	stream.indirect.gather [hbm4b:s23+s24], $0x40, s25, s24, $0xb8;
	[tilespmem:$0x2080] =	vst v63  }
0x283: {  	_ =	swait.ge [sflag:s26], $0x2000  }
0x284: {  	s29 =	rddreg [dreg:$0x7]  }
0x285: {  	s30 =	simm.s32 $0x2;
	[sflag:s26] =	ssyncset.done $0x0;
	p0 =	sne.s32 s29, $0x1  }
.Ltmp0:
0x286: {  	s28 =	rddreg [dreg:$0x6];
	[sflag:s26] =	ssyncadd.s32 $0xFFFFE000;
	(pc) =	sbr.rel @p0 .LBB2_1-.Ltmp0, $4  }
0x287: {  	[hbm4b:s28+s25] =	stream.linear.scatter [tilespmem:s24], [sflag:$0x2], $0x2000, $0x38;
	[tilespmem:$0x2080] =	vst v63  }
0x288: {  	_ =	swait.ge [sflag:s30], $0x2000  }
0x289: {  	s31 =	simm.s32 $0x2;
	[sflag:s30] =	ssyncset.done $0x0  }
0x28a: {  	s0 =	sadd.s32 $0xFFFFFFFF, s29;
	[sflag:s31] =	ssyncadd.s32 $0xFFFFE000  }
0x28b: {  	_ =	sfence.sel $0x180000  }
0x28c: {  	[bflag:$0x0] =	sbarrier.arrive $0xFFFF  }
0x28d: {  	_ =	strace $0x90000047  }
0x28e: {  	s0 =	stileid.u32;
	[bflag:$0x2] =	sbarrier.arrive $0xFFFF  }
0x28f: {  	p0 =	sne.s32 s0, $0x0;
	s0 =	rddreg [dreg:$0x3]  }
0x290: {  	s0 =	sadd.s32 @!p0 $0x100000, s0  }
0x291: {  	[sflag:s0] =	ssyncadd.tile.s32 @!p0 $0x1;
	_ =	shalt  }
.Lfunc_end2:
_tile_overlayer_lowered:
.L_overlay_start_2:
0x292: {  	(tag) =	ssettag $0x2  }
0x293: {  	s0 =	rddreg [dreg:$0x0];
	s2 =	stileid.u32  }
0x294: {  	s1 =	rddreg [dreg:$0x1];
	p0 =	sne.s32 s2, $0x0  }
0x295: {  	s3 =	rddreg [dreg:$0x2];
	[bflag:$0x3] =	sbarrier.arrive $0xFFFF;
	s2 =	simm.s32 @!p0 $0x1C02  }
0x296: {  	[timem:s3], [sflag:s2] =	dma.local @!p0 [hbm:s0], s1  }
0x297: {  	s0 =	simm.s32 @!p0 $0x2  }
0x298: {  	_ =	swait.ge @!p0 [sflag:s0], s1  }
0x299: {  	s1 =	ssub.s32 @!p0 $0x0, s1;
	[sflag:s0] =	ssyncset.done @!p0 $0x0  }
0x29a: {  	[sflag:s0] =	ssyncadd.s32 @!p0 s1  }
0x29b: {  	[bflag:$0x3] =	sbarrier.arrive $0xFFFF  }
0x29c: {  	_ =	shalt  }

</sc_bundles>
